<compile_context>
chip_gen: v7x
topology: tpu7x:2x2x1
jax: 0.10.2.dev20260603
libtpu: 0.0.44.dev20260713+nightly
codegen_flags: <defaults>
</compile_context>

<pallas_src>
import functools

import jax
import jax.numpy as jnp
from jax import lax
from jax.experimental import pallas as pl
from jax.experimental.pallas import tpu as pltpu
from jax.experimental.pallas import tpu_sc as plsc

N = 10000
E = 320000
D = 128
NC = 2
NS = 16
NW = NC * NS
CH = 128
EP = 327680
CPW = EP // CH // NW
EP2 = EP + NW * CH
ACC_ROWS = 10112
RPT = 624
RPT_ACC = ACC_ROWS // NS
BR = 1024
GR = (N + BR - 1) // BR


def _sc_mesh():
    return plsc.VectorSubcoreMesh(core_axis_name="c", subcore_axis_name="s")


HN = 10240


def _sc_degree(col_p, zeros_hn):

    @functools.partial(
        pl.kernel,
        out_type=jax.ShapeDtypeStruct((NW, HN), jnp.float32),
        mesh=_sc_mesh(),
        scratch_types=[
            pltpu.VMEM((HN,), jnp.float32),
            pltpu.VMEM((1, CH), jnp.int32),
        ],
        compiler_params=pltpu.CompilerParams(needs_layout_passes=False),
    )
    def deg_kernel(col_hbm, z_hbm, out_hbm, hist, col_v):
        cid = lax.axis_index("c")
        sid = lax.axis_index("s")
        wid = sid * NC + cid
        pltpu.sync_copy(z_hbm, hist)
        ones16 = jnp.full((16,), 1.0, dtype=jnp.float32)

        def body(g, carry):
            base = (g * NW + wid) * CH
            pltpu.sync_copy(col_hbm.at[pl.ds(base, CH)], col_v.at[0])
            for j in range(CH // 16):
                idx = col_v[0, pl.ds(j * 16, 16)]
                plsc.addupdate_scatter(hist, [idx], ones16)
            return carry

        lax.fori_loop(0, CPW, body, 0)
        pltpu.sync_copy(hist, out_hbm.at[wid])

    return deg_kernel(col_p, zeros_hn)


def _sc_propagate(hp, rc_p):

    @functools.partial(
        pl.kernel,
        out_type=jax.ShapeDtypeStruct((NC, N, D), jnp.float32),
        mesh=_sc_mesh(),
        scratch_types=[
            pltpu.VMEM_SHARED((ACC_ROWS, D), jnp.float32),
            pltpu.VMEM((2, CH), jnp.int32),
            pltpu.VMEM((CH, D), jnp.float32),
        ],
    )
    def prop_kernel(h_hbm, rc_hbm, out_hbm,
                    acc, rc_v, rows_v):
        cid = lax.axis_index("c")
        sid = lax.axis_index("s")
        wid = sid * NC + cid
        base_r = sid * RPT
        pltpu.sync_copy(h_hbm.at[pl.ds(base_r, RPT)],
                        acc.at[pl.ds(base_r, RPT)])

        @pl.when(sid == NS - 1)
        def _():
            pltpu.sync_copy(h_hbm.at[pl.ds(NS * RPT, N - NS * RPT)],
                            acc.at[pl.ds(NS * RPT, N - NS * RPT)])

        plsc.subcore_barrier()

        def body(g, carry):
            pltpu.sync_copy(rc_hbm.at[g * NW + wid], rc_v)
            pltpu.sync_copy(h_hbm.at[rc_v.at[0]], rows_v)
            pltpu.sync_copy(rows_v, acc.at[rc_v.at[1]], add=True)
            return carry

        lax.fori_loop(0, CPW, body, 0)
        plsc.subcore_barrier()
        pltpu.sync_copy(acc.at[pl.ds(base_r, RPT)],
                        out_hbm.at[cid, pl.ds(base_r, RPT)])

        @pl.when(sid == NS - 1)
        def _():
            pltpu.sync_copy(acc.at[pl.ds(NS * RPT, N - NS * RPT)],
                            out_hbm.at[cid, pl.ds(NS * RPT, N - NS * RPT)])

    return prop_kernel(hp, rc_p)


def _tc_stage1(x, W1, degp):

    def body(x_ref, w_ref, d_ref, h_ref, dis_ref):
        d = jnp.sum(d_ref[...], axis=0)
        dis = lax.rsqrt(d + 1.0)[:, None]
        h = lax.dot_general(x_ref[...], w_ref[...],
                            (((1,), (1,)), ((), ())),
                            preferred_element_type=jnp.float32)
        h_ref[...] = h * dis
        dis_ref[...] = jnp.broadcast_to(dis, (BR, D))

    return pl.pallas_call(
        body,
        grid=(GR,),
        in_specs=[
            pl.BlockSpec((BR, D), lambda i: (i, 0)),
            pl.BlockSpec((D, D), lambda i: (0, 0)),
            pl.BlockSpec((NW, BR), lambda i: (0, i)),
        ],
        out_specs=[
            pl.BlockSpec((BR, D), lambda i: (i, 0)),
            pl.BlockSpec((BR, D), lambda i: (i, 0)),
        ],
        out_shape=[
            jax.ShapeDtypeStruct((N, D), jnp.float32),
            jax.ShapeDtypeStruct((N, D), jnp.float32),
        ],
    )(x, W1, degp)


def _tc_stage2(p, hp, dis, b1, W2):

    def body(p_ref, hp_ref, dis_ref, b_ref, w_ref, o_ref):
        s = p_ref[0] + p_ref[1] - hp_ref[...]
        h = s * dis_ref[...] + b_ref[...]
        h = jnp.maximum(h, 0.0)
        o = lax.dot_general(h, w_ref[...],
                            (((1,), (1,)), ((), ())),
                            preferred_element_type=jnp.float32)
        o_ref[...] = o * dis_ref[...]

    return pl.pallas_call(
        body,
        grid=(GR,),
        in_specs=[
            pl.BlockSpec((NC, BR, D), lambda i: (0, i, 0)),
            pl.BlockSpec((BR, D), lambda i: (i, 0)),
            pl.BlockSpec((BR, D), lambda i: (i, 0)),
            pl.BlockSpec((1, D), lambda i: (0, 0)),
            pl.BlockSpec((D, D), lambda i: (0, 0)),
        ],
        out_specs=pl.BlockSpec((BR, D), lambda i: (i, 0)),
        out_shape=jax.ShapeDtypeStruct((N, D), jnp.float32),
    )(p, hp, dis, b1, W2)


def _tc_stage3(q, hp, dis, b2):

    def body(q_ref, hp_ref, dis_ref, b_ref, o_ref):
        s = q_ref[0] + q_ref[1] - hp_ref[...]
        o_ref[...] = s * dis_ref[...] + b_ref[...]

    return pl.pallas_call(
        body,
        grid=(GR,),
        in_specs=[
            pl.BlockSpec((NC, BR, D), lambda i: (0, i, 0)),
            pl.BlockSpec((BR, D), lambda i: (i, 0)),
            pl.BlockSpec((BR, D), lambda i: (i, 0)),
            pl.BlockSpec((1, D), lambda i: (0, 0)),
        ],
        out_specs=pl.BlockSpec((BR, D), lambda i: (i, 0)),
        out_shape=jax.ShapeDtypeStruct((N, D), jnp.float32),
    )(q, hp, dis, b2)


def kernel(x, edge_index, W1, b1, W2, b2):
    row = edge_index[0].astype(jnp.int32)
    col = edge_index[1].astype(jnp.int32)
    pad = EP2 - E
    row_p = jnp.concatenate([row, jnp.zeros((pad,), jnp.int32)])
    col_p = jnp.concatenate([col, jnp.full((pad,), N, jnp.int32)])
    rc_p = jnp.stack([row_p.reshape(EP2 // CH, CH),
                      col_p.reshape(EP2 // CH, CH)], axis=1)

    degp = _sc_degree(col_p, jnp.zeros((HN,), jnp.float32))
    h1p, dis = _tc_stage1(x, W1, degp)
    p = _sc_propagate(h1p, rc_p)
    h2p = _tc_stage2(p, h1p, dis, b1.reshape(1, D), W2)
    q = _sc_propagate(h2p, rc_p)
    return _tc_stage3(q, h2p, dis, b2.reshape(1, D))

# --- scband reference (transcript-rebuilt; emitter-appended) ---
"""Pipeline reference for scband-pmlp-10368051053156 (READ-ONLY COPY).

The authoritative reference and input builder live on the scoring server;
editing this copy changes nothing except your own understanding.
"""

import jax, jax.numpy as jnp
import numpy as np

N_NODES = 10000
N_EDGES = 320000
D_IN = 128
D_HID = 128
D_OUT = 128
NUM_LAYERS = 2


def setup_inputs(seed: int = 0) -> dict:
    key = jax.random.key(seed)
    k1, k2, k3, k4, k5, k6, k7 = jax.random.split(key, 7)
    x = jax.random.normal(k1, (N_NODES, D_IN), dtype=jnp.float32)
    edge_index = jax.random.randint(k2, (2, N_EDGES), 0, N_NODES, dtype=jnp.int64)
    # Linear layer parameters (torch.nn.Linear: weight [out, in], bias [out])
    lim1 = 1.0 / np.sqrt(D_IN)
    W1 = jax.random.uniform(k3, (D_HID, D_IN), dtype=jnp.float32, minval=-lim1, maxval=lim1)
    b1 = jax.random.uniform(k4, (D_HID,), dtype=jnp.float32, minval=-lim1, maxval=lim1)
    lim2 = 1.0 / np.sqrt(D_HID)
    W2 = jax.random.uniform(k5, (D_OUT, D_HID), dtype=jnp.float32, minval=-lim2, maxval=lim2)
    b2 = jax.random.uniform(k6, (D_OUT,), dtype=jnp.float32, minval=-lim2, maxval=lim2)
    return {"x": x, "edge_index": edge_index, "W1": W1, "b1": b1, "W2": W2, "b2": b2}


def _propagate(x, edge_index):
    # GCN-style symmetric normalization with self-loops, sum aggregation.
    n = x.shape[0]
    self_loops = jnp.arange(n, dtype=edge_index.dtype)
    row = jnp.concatenate([edge_index[0], self_loops])
    col = jnp.concatenate([edge_index[1], self_loops])
    deg = jnp.zeros((n,), dtype=x.dtype).at[col].add(jnp.ones_like(col, dtype=x.dtype))
    deg_inv_sqrt = deg ** -0.5
    deg_inv_sqrt = jnp.where(jnp.isinf(deg_inv_sqrt), 0.0, deg_inv_sqrt)
    norm = deg_inv_sqrt[row] * deg_inv_sqrt[col]
    msgs = norm[:, None] * x[row]
    out = jnp.zeros_like(x).at[col].add(msgs)
    return out


def reference(x, edge_index, W1, b1, W2, b2):
    # Eval-mode PMLP forward (propagation active, dropout off).
    weights = [(W1, b1), (W2, b2)]
    h = x
    for layer_index in range(NUM_LAYERS):
        W, b = weights[layer_index]
        h = h @ W.T
        h = _propagate(h, edge_index)
        h = h + b
        if layer_index != NUM_LAYERS - 1:
            h = jax.nn.relu(h)
            # dropout is identity in eval mode
    return h

if __name__ == "__main__":
    import jax
    _d = setup_inputs()
    print(jax.jit(kernel)(*tuple(_d.values())))

</pallas_src>

<mosaic_0001>
#map = affine_map<(d0, d1) -> (0, 0)>
#map1 = affine_map<(d0, d1) -> (0, 0, 0)>
module attributes {stable_mosaic.version = 14 : i64} {
  func.func @prop_kernel(%arg0: i32, %arg1: i32, %arg2: memref<10000x128xf32, #tpu.memory_space<hbm>>, %arg3: memref<2592x2x128xi32, #tpu.memory_space<hbm>>, %arg4: memref<2x10000x128xf32, #tpu.memory_space<hbm>>, %arg5: memref<10112x128xf32, #tpu.memory_space<vmem_shared>>, %arg6: memref<2x128xi32, #tpu.memory_space<vmem>>, %arg7: memref<128x128xf32, #tpu.memory_space<vmem>>) attributes {dimension_semantics = [#tpu.dimension_semantics<core_parallel>, #tpu.dimension_semantics<subcore_parallel>], iteration_bounds = array<i64: 2, 16>, scalar_prefetch = 0 : i64, scratch_operands = 3 : i64, tpu.core_type = #tpu.core_type<sc_vector_subcore>, window_params = [{transform_indices = #map}, {transform_indices = #map1}, {transform_indices = #map1}]} {
    %mul3A = arith.constant 2 : i32
    %mul3A_0 = arith.muli %arg1, %mul3A : i32
    %add3A = arith.addi %mul3A_0, %arg0 : i32
    %mul3A_1 = arith.constant 624 : i32
    %mul3A_2 = arith.muli %arg1, %mul3A_1 : i32
    "tpu.region"() ({
      %run_scoped3A = tpu.sem_alloc : memref<!tpu.dma_semaphore, #tpu.memory_space<semaphore_mem>>
      %dma_start3A = arith.constant 0 : i32
      %dma_start3A_16 = tpu.memref_slice %arg5[%mul3A_2, %dma_start3A] : memref<10112x128xf32, #tpu.memory_space<vmem_shared>> -> memref<624x128xf32, #tpu.memory_space<vmem_shared>>
      %dma_start3A_17 = arith.constant 0 : i32
      %dma_start3A_18 = tpu.memref_slice %arg2[%mul3A_2, %dma_start3A_17] : memref<10000x128xf32, #tpu.memory_space<hbm>> -> memref<624x128xf32, #tpu.memory_space<hbm>>
      tpu.enqueue_dma source(%dma_start3A_18 : memref<624x128xf32, #tpu.memory_space<hbm>>) target(%dma_start3A_16 : memref<624x128xf32, #tpu.memory_space<vmem_shared>>) target_semaphore(%run_scoped3A : memref<!tpu.dma_semaphore, #tpu.memory_space<semaphore_mem>>)
      %dma_wait3A = arith.constant 0 : i32
      %dma_wait3A_19 = tpu.memref_slice %arg5[%mul3A_2, %dma_wait3A] : memref<10112x128xf32, #tpu.memory_space<vmem_shared>> -> memref<624x128xf32, #tpu.memory_space<vmem_shared>>
      %dma_wait3A_20 = arith.constant 0 : i32
      %dma_wait3A_21 = tpu.memref_slice %arg2[%mul3A_2, %dma_wait3A_20] : memref<10000x128xf32, #tpu.memory_space<hbm>> -> memref<624x128xf32, #tpu.memory_space<hbm>>
      tpu.wait_dma2 semaphore(%run_scoped3A : memref<!tpu.dma_semaphore, #tpu.memory_space<semaphore_mem>>) src(%dma_wait3A_21 : memref<624x128xf32, #tpu.memory_space<hbm>>) dst(%dma_wait3A_19 : memref<624x128xf32, #tpu.memory_space<vmem_shared>>)
      tpu.yield
    }) : () -> ()
    %eq3A = arith.constant 15 : i32
    %eq3A_3 = arith.cmpi eq, %arg1, %eq3A : i32
    %convert_element_type3A = arith.extui %eq3A_3 : i1 to i32
    %cond3A = arith.constant 0 : i32
    %cond3A_4 = arith.cmpi ne, %convert_element_type3A, %cond3A : i32
    scf.if %cond3A_4 {
      "tpu.region"() ({
        %run_scoped3A = tpu.sem_alloc : memref<!tpu.dma_semaphore, #tpu.memory_space<semaphore_mem>>
        %dma_start3A = arith.constant 9984 : i32
        %dma_start3A_16 = arith.constant 0 : i32
        %dma_start3A_17 = tpu.memref_slice %arg5[%dma_start3A, %dma_start3A_16] : memref<10112x128xf32, #tpu.memory_space<vmem_shared>> -> memref<16x128xf32, #tpu.memory_space<vmem_shared>>
        %dma_start3A_18 = arith.constant 9984 : i32
        %dma_start3A_19 = arith.constant 0 : i32
        %dma_start3A_20 = tpu.memref_slice %arg2[%dma_start3A_18, %dma_start3A_19] : memref<10000x128xf32, #tpu.memory_space<hbm>> -> memref<16x128xf32, #tpu.memory_space<hbm>>
        tpu.enqueue_dma source(%dma_start3A_20 : memref<16x128xf32, #tpu.memory_space<hbm>>) target(%dma_start3A_17 : memref<16x128xf32, #tpu.memory_space<vmem_shared>>) target_semaphore(%run_scoped3A : memref<!tpu.dma_semaphore, #tpu.memory_space<semaphore_mem>>)
        %dma_wait3A = arith.constant 9984 : i32
        %dma_wait3A_21 = arith.constant 0 : i32
        %dma_wait3A_22 = tpu.memref_slice %arg5[%dma_wait3A, %dma_wait3A_21] : memref<10112x128xf32, #tpu.memory_space<vmem_shared>> -> memref<16x128xf32, #tpu.memory_space<vmem_shared>>
        %dma_wait3A_23 = arith.constant 9984 : i32
        %dma_wait3A_24 = arith.constant 0 : i32
        %dma_wait3A_25 = tpu.memref_slice %arg2[%dma_wait3A_23, %dma_wait3A_24] : memref<10000x128xf32, #tpu.memory_space<hbm>> -> memref<16x128xf32, #tpu.memory_space<hbm>>
        tpu.wait_dma2 semaphore(%run_scoped3A : memref<!tpu.dma_semaphore, #tpu.memory_space<semaphore_mem>>) src(%dma_wait3A_25 : memref<16x128xf32, #tpu.memory_space<hbm>>) dst(%dma_wait3A_22 : memref<16x128xf32, #tpu.memory_space<vmem_shared>>)
        tpu.yield
      }) : () -> ()
    } else {
    }
    %barrier3A = arith.constant 0 : index
    tpu.barrier barrier_id(%barrier3A)
    %scan3A = arith.constant 0 : i32
    %scan3A_5 = arith.constant 0 : i32
    %scan3A_6 = arith.constant 80 : i32
    %scan3A_7 = arith.addi %scan3A_5, %scan3A_6 : i32
    %scan3A_8 = arith.constant 1 : i32
    scf.for %scan3A_16 = %scan3A_5 to %scan3A_7 step %scan3A_8  : i32 {
      %mul3A_17 = arith.constant 32 : i32
      %mul3A_18 = arith.muli %scan3A_16, %mul3A_17 : i32
      %add3A_19 = arith.addi %mul3A_18, %add3A : i32
      "tpu.region"() ({
        %run_scoped3A_21 = tpu.sem_alloc : memref<!tpu.dma_semaphore, #tpu.memory_space<semaphore_mem>>
        %dma_start3A = arith.constant 0 : i32
        %dma_start3A_22 = arith.constant 0 : i32
        %dma_start3A_23 = tpu.memref_slice %arg3[%add3A_19, %dma_start3A, %dma_start3A_22] : memref<2592x2x128xi32, #tpu.memory_space<hbm>> -> memref<1x2x128xi32, #tpu.memory_space<hbm>>
        %dma_start3A_24 = tpu.memref_squeeze %dma_start3A_23 : memref<1x2x128xi32, #tpu.memory_space<hbm>> -> memref<2x128xi32, #tpu.memory_space<hbm>>
        %dma_start3A_25 = arith.constant 0 : i32
        %dma_start3A_26 = arith.constant 0 : i32
        %dma_start3A_27 = tpu.memref_slice %arg3[%add3A_19, %dma_start3A_25, %dma_start3A_26] : memref<2592x2x128xi32, #tpu.memory_space<hbm>> -> memref<1x2x128xi32, #tpu.memory_space<hbm>>
        %dma_start3A_28 = tpu.memref_squeeze %dma_start3A_27 : memref<1x2x128xi32, #tpu.memory_space<hbm>> -> memref<2x128xi32, #tpu.memory_space<hbm>>
        tpu.enqueue_dma source(%dma_start3A_28 : memref<2x128xi32, #tpu.memory_space<hbm>>) target(%arg6 : memref<2x128xi32, #tpu.memory_space<vmem>>) target_semaphore(%run_scoped3A_21 : memref<!tpu.dma_semaphore, #tpu.memory_space<semaphore_mem>>)
        %dma_wait3A = arith.constant 0 : i32
        %dma_wait3A_29 = arith.constant 0 : i32
        %dma_wait3A_30 = tpu.memref_slice %arg3[%add3A_19, %dma_wait3A, %dma_wait3A_29] : memref<2592x2x128xi32, #tpu.memory_space<hbm>> -> memref<1x2x128xi32, #tpu.memory_space<hbm>>
        %dma_wait3A_31 = tpu.memref_squeeze %dma_wait3A_30 : memref<1x2x128xi32, #tpu.memory_space<hbm>> -> memref<2x128xi32, #tpu.memory_space<hbm>>
        %dma_wait3A_32 = arith.constant 0 : i32
        %dma_wait3A_33 = arith.constant 0 : i32
        %dma_wait3A_34 = tpu.memref_slice %arg3[%add3A_19, %dma_wait3A_32, %dma_wait3A_33] : memref<2592x2x128xi32, #tpu.memory_space<hbm>> -> memref<1x2x128xi32, #tpu.memory_space<hbm>>
        %dma_wait3A_35 = tpu.memref_squeeze %dma_wait3A_34 : memref<1x2x128xi32, #tpu.memory_space<hbm>> -> memref<2x128xi32, #tpu.memory_space<hbm>>
        tpu.wait_dma2 semaphore(%run_scoped3A_21 : memref<!tpu.dma_semaphore, #tpu.memory_space<semaphore_mem>>) src(%dma_wait3A_35 : memref<2x128xi32, #tpu.memory_space<hbm>>) dst(%arg6 : memref<2x128xi32, #tpu.memory_space<vmem>>)
        tpu.yield
      }) : () -> ()
      %run_scoped3A = arith.constant 0 : i32
      "tpu.region"() ({
        %run_scoped3A_21 = tpu.sem_alloc : memref<!tpu.dma_semaphore, #tpu.memory_space<semaphore_mem>>
        %dma_start3A = arith.constant 0 : i32
        %dma_start3A_22 = tpu.memref_slice %arg6[%run_scoped3A, %dma_start3A] : memref<2x128xi32, #tpu.memory_space<vmem>> -> memref<1x128xi32, #tpu.memory_space<vmem>>
        %dma_start3A_23 = tpu.memref_squeeze %dma_start3A_22 : memref<1x128xi32, #tpu.memory_space<vmem>> -> memref<128xi32, #tpu.memory_space<vmem>>
        %dma_start3A_24 = arith.constant 0 : i32
        %dma_start3A_25 = arith.constant 0 : i32
        %dma_start3A_26 = tpu.memref_slice %arg2[%dma_start3A_24, %dma_start3A_25] : memref<10000x128xf32, #tpu.memory_space<hbm>> -> memref<10000x128xf32, #tpu.memory_space<hbm>>
        tpu.enqueue_indirect_dma source(%dma_start3A_26 : memref<10000x128xf32, #tpu.memory_space<hbm>>) target(%arg7 : memref<128x128xf32, #tpu.memory_space<vmem>>) offsets(%dma_start3A_23 : memref<128xi32, #tpu.memory_space<vmem>>) semaphore(%run_scoped3A_21 : memref<!tpu.dma_semaphore, #tpu.memory_space<semaphore_mem>>)
        %dma_wait3A = arith.constant 0 : i32
        %dma_wait3A_27 = tpu.memref_slice %arg6[%run_scoped3A, %dma_wait3A] : memref<2x128xi32, #tpu.memory_space<vmem>> -> memref<1x128xi32, #tpu.memory_space<vmem>>
        %dma_wait3A_28 = tpu.memref_squeeze %dma_wait3A_27 : memref<1x128xi32, #tpu.memory_space<vmem>> -> memref<128xi32, #tpu.memory_space<vmem>>
        %dma_wait3A_29 = arith.constant 0 : i32
        %dma_wait3A_30 = arith.constant 0 : i32
        %dma_wait3A_31 = tpu.memref_slice %arg2[%dma_wait3A_29, %dma_wait3A_30] : memref<10000x128xf32, #tpu.memory_space<hbm>> -> memref<10000x128xf32, #tpu.memory_space<hbm>>
        tpu.wait_indirect_dma semaphore(%run_scoped3A_21 : memref<!tpu.dma_semaphore, #tpu.memory_space<semaphore_mem>>) src(%dma_wait3A_31 : memref<10000x128xf32, #tpu.memory_space<hbm>>) dst(%arg7 : memref<128x128xf32, #tpu.memory_space<vmem>>)
        tpu.yield
      }) : () -> ()
      %run_scoped3A_20 = arith.constant 1 : i32
      "tpu.region"() ({
        %run_scoped3A_21 = tpu.sem_alloc : memref<!tpu.dma_semaphore, #tpu.memory_space<semaphore_mem>>
        %dma_start3A = arith.constant 0 : i32
        %dma_start3A_22 = tpu.memref_slice %arg6[%run_scoped3A_20, %dma_start3A] : memref<2x128xi32, #tpu.memory_space<vmem>> -> memref<1x128xi32, #tpu.memory_space<vmem>>
        %dma_start3A_23 = tpu.memref_squeeze %dma_start3A_22 : memref<1x128xi32, #tpu.memory_space<vmem>> -> memref<128xi32, #tpu.memory_space<vmem>>
        %dma_start3A_24 = arith.constant 0 : i32
        %dma_start3A_25 = arith.constant 0 : i32
        %dma_start3A_26 = tpu.memref_slice %arg5[%dma_start3A_24, %dma_start3A_25] : memref<10112x128xf32, #tpu.memory_space<vmem_shared>> -> memref<10112x128xf32, #tpu.memory_space<vmem_shared>>
        tpu.enqueue_indirect_dma source(%arg7 : memref<128x128xf32, #tpu.memory_space<vmem>>) target(%dma_start3A_26 : memref<10112x128xf32, #tpu.memory_space<vmem_shared>>) offsets(%dma_start3A_23 : memref<128xi32, #tpu.memory_space<vmem>>) semaphore(%run_scoped3A_21 : memref<!tpu.dma_semaphore, #tpu.memory_space<semaphore_mem>>) {add = true}
        %dma_wait3A = arith.constant 0 : i32
        %dma_wait3A_27 = tpu.memref_slice %arg6[%run_scoped3A_20, %dma_wait3A] : memref<2x128xi32, #tpu.memory_space<vmem>> -> memref<1x128xi32, #tpu.memory_space<vmem>>
        %dma_wait3A_28 = tpu.memref_squeeze %dma_wait3A_27 : memref<1x128xi32, #tpu.memory_space<vmem>> -> memref<128xi32, #tpu.memory_space<vmem>>
        %dma_wait3A_29 = arith.constant 0 : i32
        %dma_wait3A_30 = arith.constant 0 : i32
        %dma_wait3A_31 = tpu.memref_slice %arg5[%dma_wait3A_29, %dma_wait3A_30] : memref<10112x128xf32, #tpu.memory_space<vmem_shared>> -> memref<10112x128xf32, #tpu.memory_space<vmem_shared>>
        tpu.wait_indirect_dma semaphore(%run_scoped3A_21 : memref<!tpu.dma_semaphore, #tpu.memory_space<semaphore_mem>>) src(%arg7 : memref<128x128xf32, #tpu.memory_space<vmem>>) dst(%dma_wait3A_31 : memref<10112x128xf32, #tpu.memory_space<vmem_shared>>)
        tpu.yield
      }) : () -> ()
    }
    %scan3A_9 = arith.constant 80 : i32
    %barrier3A_10 = arith.constant 0 : index
    tpu.barrier barrier_id(%barrier3A_10)
    "tpu.region"() ({
      %run_scoped3A = tpu.sem_alloc : memref<!tpu.dma_semaphore, #tpu.memory_space<semaphore_mem>>
      %dma_start3A = arith.constant 0 : i32
      %dma_start3A_16 = tpu.memref_slice %arg4[%arg0, %mul3A_2, %dma_start3A] : memref<2x10000x128xf32, #tpu.memory_space<hbm>> -> memref<1x624x128xf32, #tpu.memory_space<hbm>>
      %dma_start3A_17 = tpu.memref_squeeze %dma_start3A_16 : memref<1x624x128xf32, #tpu.memory_space<hbm>> -> memref<624x128xf32, #tpu.memory_space<hbm>>
      %dma_start3A_18 = arith.constant 0 : i32
      %dma_start3A_19 = tpu.memref_slice %arg5[%mul3A_2, %dma_start3A_18] : memref<10112x128xf32, #tpu.memory_space<vmem_shared>> -> memref<624x128xf32, #tpu.memory_space<vmem_shared>>
      tpu.enqueue_dma source(%dma_start3A_19 : memref<624x128xf32, #tpu.memory_space<vmem_shared>>) target(%dma_start3A_17 : memref<624x128xf32, #tpu.memory_space<hbm>>) target_semaphore(%run_scoped3A : memref<!tpu.dma_semaphore, #tpu.memory_space<semaphore_mem>>)
      %dma_wait3A = arith.constant 0 : i32
      %dma_wait3A_20 = tpu.memref_slice %arg4[%arg0, %mul3A_2, %dma_wait3A] : memref<2x10000x128xf32, #tpu.memory_space<hbm>> -> memref<1x624x128xf32, #tpu.memory_space<hbm>>
      %dma_wait3A_21 = tpu.memref_squeeze %dma_wait3A_20 : memref<1x624x128xf32, #tpu.memory_space<hbm>> -> memref<624x128xf32, #tpu.memory_space<hbm>>
      %dma_wait3A_22 = arith.constant 0 : i32
      %dma_wait3A_23 = tpu.memref_slice %arg5[%mul3A_2, %dma_wait3A_22] : memref<10112x128xf32, #tpu.memory_space<vmem_shared>> -> memref<624x128xf32, #tpu.memory_space<vmem_shared>>
      tpu.wait_dma2 semaphore(%run_scoped3A : memref<!tpu.dma_semaphore, #tpu.memory_space<semaphore_mem>>) src(%dma_wait3A_23 : memref<624x128xf32, #tpu.memory_space<vmem_shared>>) dst(%dma_wait3A_21 : memref<624x128xf32, #tpu.memory_space<hbm>>)
      tpu.yield
    }) : () -> ()
    %eq3A_11 = arith.constant 15 : i32
    %eq3A_12 = arith.cmpi eq, %arg1, %eq3A_11 : i32
    %convert_element_type3A_13 = arith.extui %eq3A_12 : i1 to i32
    %cond3A_14 = arith.constant 0 : i32
    %cond3A_15 = arith.cmpi ne, %convert_element_type3A_13, %cond3A_14 : i32
    scf.if %cond3A_15 {
      "tpu.region"() ({
        %run_scoped3A = tpu.sem_alloc : memref<!tpu.dma_semaphore, #tpu.memory_space<semaphore_mem>>
        %dma_start3A = arith.constant 9984 : i32
        %dma_start3A_16 = arith.constant 0 : i32
        %dma_start3A_17 = tpu.memref_slice %arg4[%arg0, %dma_start3A, %dma_start3A_16] : memref<2x10000x128xf32, #tpu.memory_space<hbm>> -> memref<1x16x128xf32, #tpu.memory_space<hbm>>
        %dma_start3A_18 = tpu.memref_squeeze %dma_start3A_17 : memref<1x16x128xf32, #tpu.memory_space<hbm>> -> memref<16x128xf32, #tpu.memory_space<hbm>>
        %dma_start3A_19 = arith.constant 9984 : i32
        %dma_start3A_20 = arith.constant 0 : i32
        %dma_start3A_21 = tpu.memref_slice %arg5[%dma_start3A_19, %dma_start3A_20] : memref<10112x128xf32, #tpu.memory_space<vmem_shared>> -> memref<16x128xf32, #tpu.memory_space<vmem_shared>>
        tpu.enqueue_dma source(%dma_start3A_21 : memref<16x128xf32, #tpu.memory_space<vmem_shared>>) target(%dma_start3A_18 : memref<16x128xf32, #tpu.memory_space<hbm>>) target_semaphore(%run_scoped3A : memref<!tpu.dma_semaphore, #tpu.memory_space<semaphore_mem>>)
        %dma_wait3A = arith.constant 9984 : i32
        %dma_wait3A_22 = arith.constant 0 : i32
        %dma_wait3A_23 = tpu.memref_slice %arg4[%arg0, %dma_wait3A, %dma_wait3A_22] : memref<2x10000x128xf32, #tpu.memory_space<hbm>> -> memref<1x16x128xf32, #tpu.memory_space<hbm>>
        %dma_wait3A_24 = tpu.memref_squeeze %dma_wait3A_23 : memref<1x16x128xf32, #tpu.memory_space<hbm>> -> memref<16x128xf32, #tpu.memory_space<hbm>>
        %dma_wait3A_25 = arith.constant 9984 : i32
        %dma_wait3A_26 = arith.constant 0 : i32
        %dma_wait3A_27 = tpu.memref_slice %arg5[%dma_wait3A_25, %dma_wait3A_26] : memref<10112x128xf32, #tpu.memory_space<vmem_shared>> -> memref<16x128xf32, #tpu.memory_space<vmem_shared>>
        tpu.wait_dma2 semaphore(%run_scoped3A : memref<!tpu.dma_semaphore, #tpu.memory_space<semaphore_mem>>) src(%dma_wait3A_27 : memref<16x128xf32, #tpu.memory_space<vmem_shared>>) dst(%dma_wait3A_24 : memref<16x128xf32, #tpu.memory_space<hbm>>)
        tpu.yield
      }) : () -> ()
    } else {
    }
    return
  }
}

#map = affine_map<(d0, d1) -> (0)>
#map1 = affine_map<(d0, d1) -> (0, 0)>
module attributes {stable_mosaic.version = 14 : i64} {
  func.func @deg_kernel(%arg0: i32, %arg1: i32, %arg2: memref<331776xi32, #tpu.memory_space<hbm>>, %arg3: memref<10240xf32, #tpu.memory_space<hbm>>, %arg4: memref<32x10240xf32, #tpu.memory_space<hbm>>, %arg5: memref<10240xf32, #tpu.memory_space<vmem>>, %arg6: memref<1x128xi32, #tpu.memory_space<vmem>>) attributes {dimension_semantics = [#tpu.dimension_semantics<core_parallel>, #tpu.dimension_semantics<subcore_parallel>], iteration_bounds = array<i64: 2, 16>, scalar_prefetch = 0 : i64, scratch_operands = 2 : i64, tpu.core_type = #tpu.core_type<sc_vector_subcore>, window_params = [{transform_indices = #map}, {transform_indices = #map}, {transform_indices = #map1}]} {
    %mul3A = arith.constant 2 : i32
    %mul3A_0 = arith.muli %arg1, %mul3A : i32
    %add3A = arith.addi %mul3A_0, %arg0 : i32
    "tpu.region"() ({
      %run_scoped3A = tpu.sem_alloc : memref<!tpu.dma_semaphore, #tpu.memory_space<semaphore_mem>>
      tpu.enqueue_dma source(%arg3 : memref<10240xf32, #tpu.memory_space<hbm>>) target(%arg5 : memref<10240xf32, #tpu.memory_space<vmem>>) target_semaphore(%run_scoped3A : memref<!tpu.dma_semaphore, #tpu.memory_space<semaphore_mem>>)
      tpu.wait_dma2 semaphore(%run_scoped3A : memref<!tpu.dma_semaphore, #tpu.memory_space<semaphore_mem>>) src(%arg3 : memref<10240xf32, #tpu.memory_space<hbm>>) dst(%arg5 : memref<10240xf32, #tpu.memory_space<vmem>>)
      tpu.yield
    }) : () -> ()
    %broadcast_in_dim3A = arith.constant 1.000000e+00 : f32
    %broadcast_in_dim3A_1 = vector.broadcast %broadcast_in_dim3A : f32 to vector<16xf32>
    %scan3A = arith.constant 0 : i32
    %scan3A_2 = arith.constant 0 : i32
    %scan3A_3 = arith.constant 80 : i32
    %scan3A_4 = arith.addi %scan3A_2, %scan3A_3 : i32
    %scan3A_5 = arith.constant 1 : i32
    scf.for %scan3A_7 = %scan3A_2 to %scan3A_4 step %scan3A_5  : i32 {
      %mul3A_8 = arith.constant 32 : i32
      %mul3A_9 = arith.muli %scan3A_7, %mul3A_8 : i32
      %add3A_10 = arith.addi %mul3A_9, %add3A : i32
      %mul3A_11 = arith.constant 128 : i32
      %mul3A_12 = arith.muli %add3A_10, %mul3A_11 : i32
      %run_scoped3A = arith.constant 0 : i32
      "tpu.region"() ({
        %run_scoped3A_44 = tpu.sem_alloc : memref<!tpu.dma_semaphore, #tpu.memory_space<semaphore_mem>>
        %dma_start3A = arith.constant 0 : i32
        %dma_start3A_45 = tpu.memref_slice %arg6[%run_scoped3A, %dma_start3A] : memref<1x128xi32, #tpu.memory_space<vmem>> -> memref<1x128xi32, #tpu.memory_space<vmem>>
        %dma_start3A_46 = tpu.memref_squeeze %dma_start3A_45 : memref<1x128xi32, #tpu.memory_space<vmem>> -> memref<128xi32, #tpu.memory_space<vmem>>
        %dma_start3A_47 = tpu.memref_slice %arg2[%mul3A_12] : memref<331776xi32, #tpu.memory_space<hbm>> -> memref<128xi32, #tpu.memory_space<hbm>>
        %dma_start3A_48 = arith.constant 0 : i32
        %dma_start3A_49 = tpu.memref_slice %arg6[%run_scoped3A, %dma_start3A_48] : memref<1x128xi32, #tpu.memory_space<vmem>> -> memref<1x128xi32, #tpu.memory_space<vmem>>
        %dma_start3A_50 = tpu.memref_squeeze %dma_start3A_49 : memref<1x128xi32, #tpu.memory_space<vmem>> -> memref<128xi32, #tpu.memory_space<vmem>>
        %dma_start3A_51 = tpu.memref_slice %arg2[%mul3A_12] : memref<331776xi32, #tpu.memory_space<hbm>> -> memref<128xi32, #tpu.memory_space<hbm>>
        tpu.enqueue_dma source(%dma_start3A_51 : memref<128xi32, #tpu.memory_space<hbm>>) target(%dma_start3A_50 : memref<128xi32, #tpu.memory_space<vmem>>) target_semaphore(%run_scoped3A_44 : memref<!tpu.dma_semaphore, #tpu.memory_space<semaphore_mem>>)
        %dma_wait3A = arith.constant 0 : i32
        %dma_wait3A_52 = tpu.memref_slice %arg6[%run_scoped3A, %dma_wait3A] : memref<1x128xi32, #tpu.memory_space<vmem>> -> memref<1x128xi32, #tpu.memory_space<vmem>>
        %dma_wait3A_53 = tpu.memref_squeeze %dma_wait3A_52 : memref<1x128xi32, #tpu.memory_space<vmem>> -> memref<128xi32, #tpu.memory_space<vmem>>
        %dma_wait3A_54 = tpu.memref_slice %arg2[%mul3A_12] : memref<331776xi32, #tpu.memory_space<hbm>> -> memref<128xi32, #tpu.memory_space<hbm>>
        %dma_wait3A_55 = arith.constant 0 : i32
        %dma_wait3A_56 = tpu.memref_slice %arg6[%run_scoped3A, %dma_wait3A_55] : memref<1x128xi32, #tpu.memory_space<vmem>> -> memref<1x128xi32, #tpu.memory_space<vmem>>
        %dma_wait3A_57 = tpu.memref_squeeze %dma_wait3A_56 : memref<1x128xi32, #tpu.memory_space<vmem>> -> memref<128xi32, #tpu.memory_space<vmem>>
        %dma_wait3A_58 = tpu.memref_slice %arg2[%mul3A_12] : memref<331776xi32, #tpu.memory_space<hbm>> -> memref<128xi32, #tpu.memory_space<hbm>>
        tpu.wait_dma2 semaphore(%run_scoped3A_44 : memref<!tpu.dma_semaphore, #tpu.memory_space<semaphore_mem>>) src(%dma_wait3A_58 : memref<128xi32, #tpu.memory_space<hbm>>) dst(%dma_wait3A_57 : memref<128xi32, #tpu.memory_space<vmem>>)
        tpu.yield
      }) : () -> ()
      %get3A = arith.constant 0 : i32
      %get3A_13 = arith.index_cast %get3A : i32 to index
      %get3A_14 = arith.constant 0 : index
      %get3A_15 = tpu.vector_load %arg6[%get3A_13, %get3A_14] {strides = array<i32>} : memref<1x128xi32, #tpu.memory_space<vmem>>, vector<16xi32>,
      tpu.vector_store_idx %arg5[%get3A_15], %broadcast_in_dim3A_1 {add = true} : memref<10240xf32, #tpu.memory_space<vmem>>[vector<16xi32>], vector<16xf32>,
      %get3A_16 = arith.constant 0 : i32
      %get3A_17 = arith.index_cast %get3A_16 : i32 to index
      %get3A_18 = arith.constant 16 : index
      %get3A_19 = tpu.vector_load %arg6[%get3A_17, %get3A_18] {strides = array<i32>} : memref<1x128xi32, #tpu.memory_space<vmem>>, vector<16xi32>,
      tpu.vector_store_idx %arg5[%get3A_19], %broadcast_in_dim3A_1 {add = true} : memref<10240xf32, #tpu.memory_space<vmem>>[vector<16xi32>], vector<16xf32>,
      %get3A_20 = arith.constant 0 : i32
      %get3A_21 = arith.index_cast %get3A_20 : i32 to index
      %get3A_22 = arith.constant 32 : index
      %get3A_23 = tpu.vector_load %arg6[%get3A_21, %get3A_22] {strides = array<i32>} : memref<1x128xi32, #tpu.memory_space<vmem>>, vector<16xi32>,
      tpu.vector_store_idx %arg5[%get3A_23], %broadcast_in_dim3A_1 {add = true} : memref<10240xf32, #tpu.memory_space<vmem>>[vector<16xi32>], vector<16xf32>,
      %get3A_24 = arith.constant 0 : i32
      %get3A_25 = arith.index_cast %get3A_24 : i32 to index
      %get3A_26 = arith.constant 48 : index
      %get3A_27 = tpu.vector_load %arg6[%get3A_25, %get3A_26] {strides = array<i32>} : memref<1x128xi32, #tpu.memory_space<vmem>>, vector<16xi32>,
      tpu.vector_store_idx %arg5[%get3A_27], %broadcast_in_dim3A_1 {add = true} : memref<10240xf32, #tpu.memory_space<vmem>>[vector<16xi32>], vector<16xf32>,
      %get3A_28 = arith.constant 0 : i32
      %get3A_29 = arith.index_cast %get3A_28 : i32 to index
      %get3A_30 = arith.constant 64 : index
      %get3A_31 = tpu.vector_load %arg6[%get3A_29, %get3A_30] {strides = array<i32>} : memref<1x128xi32, #tpu.memory_space<vmem>>, vector<16xi32>,
      tpu.vector_store_idx %arg5[%get3A_31], %broadcast_in_dim3A_1 {add = true} : memref<10240xf32, #tpu.memory_space<vmem>>[vector<16xi32>], vector<16xf32>,
      %get3A_32 = arith.constant 0 : i32
      %get3A_33 = arith.index_cast %get3A_32 : i32 to index
      %get3A_34 = arith.constant 80 : index
      %get3A_35 = tpu.vector_load %arg6[%get3A_33, %get3A_34] {strides = array<i32>} : memref<1x128xi32, #tpu.memory_space<vmem>>, vector<16xi32>,
      tpu.vector_store_idx %arg5[%get3A_35], %broadcast_in_dim3A_1 {add = true} : memref<10240xf32, #tpu.memory_space<vmem>>[vector<16xi32>], vector<16xf32>,
      %get3A_36 = arith.constant 0 : i32
      %get3A_37 = arith.index_cast %get3A_36 : i32 to index
      %get3A_38 = arith.constant 96 : index
      %get3A_39 = tpu.vector_load %arg6[%get3A_37, %get3A_38] {strides = array<i32>} : memref<1x128xi32, #tpu.memory_space<vmem>>, vector<16xi32>,
      tpu.vector_store_idx %arg5[%get3A_39], %broadcast_in_dim3A_1 {add = true} : memref<10240xf32, #tpu.memory_space<vmem>>[vector<16xi32>], vector<16xf32>,
      %get3A_40 = arith.constant 0 : i32
      %get3A_41 = arith.index_cast %get3A_40 : i32 to index
      %get3A_42 = arith.constant 112 : index
      %get3A_43 = tpu.vector_load %arg6[%get3A_41, %get3A_42] {strides = array<i32>} : memref<1x128xi32, #tpu.memory_space<vmem>>, vector<16xi32>,
      tpu.vector_store_idx %arg5[%get3A_43], %broadcast_in_dim3A_1 {add = true} : memref<10240xf32, #tpu.memory_space<vmem>>[vector<16xi32>], vector<16xf32>,
    }
    %scan3A_6 = arith.constant 80 : i32
    "tpu.region"() ({
      %run_scoped3A = tpu.sem_alloc : memref<!tpu.dma_semaphore, #tpu.memory_space<semaphore_mem>>
      %dma_start3A = arith.constant 0 : i32
      %dma_start3A_7 = tpu.memref_slice %arg4[%add3A, %dma_start3A] : memref<32x10240xf32, #tpu.memory_space<hbm>> -> memref<1x10240xf32, #tpu.memory_space<hbm>>
      %dma_start3A_8 = tpu.memref_squeeze %dma_start3A_7 : memref<1x10240xf32, #tpu.memory_space<hbm>> -> memref<10240xf32, #tpu.memory_space<hbm>>
      %dma_start3A_9 = arith.constant 0 : i32
      %dma_start3A_10 = tpu.memref_slice %arg4[%add3A, %dma_start3A_9] : memref<32x10240xf32, #tpu.memory_space<hbm>> -> memref<1x10240xf32, #tpu.memory_space<hbm>>
      %dma_start3A_11 = tpu.memref_squeeze %dma_start3A_10 : memref<1x10240xf32, #tpu.memory_space<hbm>> -> memref<10240xf32, #tpu.memory_space<hbm>>
      tpu.enqueue_dma source(%arg5 : memref<10240xf32, #tpu.memory_space<vmem>>) target(%dma_start3A_11 : memref<10240xf32, #tpu.memory_space<hbm>>) target_semaphore(%run_scoped3A : memref<!tpu.dma_semaphore, #tpu.memory_space<semaphore_mem>>)
      %dma_wait3A = arith.constant 0 : i32
      %dma_wait3A_12 = tpu.memref_slice %arg4[%add3A, %dma_wait3A] : memref<32x10240xf32, #tpu.memory_space<hbm>> -> memref<1x10240xf32, #tpu.memory_space<hbm>>
      %dma_wait3A_13 = tpu.memref_squeeze %dma_wait3A_12 : memref<1x10240xf32, #tpu.memory_space<hbm>> -> memref<10240xf32, #tpu.memory_space<hbm>>
      %dma_wait3A_14 = arith.constant 0 : i32
      %dma_wait3A_15 = tpu.memref_slice %arg4[%add3A, %dma_wait3A_14] : memref<32x10240xf32, #tpu.memory_space<hbm>> -> memref<1x10240xf32, #tpu.memory_space<hbm>>
      %dma_wait3A_16 = tpu.memref_squeeze %dma_wait3A_15 : memref<1x10240xf32, #tpu.memory_space<hbm>> -> memref<10240xf32, #tpu.memory_space<hbm>>
      tpu.wait_dma2 semaphore(%run_scoped3A : memref<!tpu.dma_semaphore, #tpu.memory_space<semaphore_mem>>) src(%arg5 : memref<10240xf32, #tpu.memory_space<vmem>>) dst(%dma_wait3A_16 : memref<10240xf32, #tpu.memory_space<hbm>>)
      tpu.yield
    }) : () -> ()
    return
  }
}

#map = affine_map<(d0, d1) -> (0, 0)>
#map1 = affine_map<(d0, d1) -> (0, 0, 0)>
module attributes {stable_mosaic.version = 14 : i64} {
  func.func @prop_kernel(%arg0: i32, %arg1: i32, %arg2: memref<10000x128xf32, #tpu.memory_space<hbm>>, %arg3: memref<2592x2x128xi32, #tpu.memory_space<hbm>>, %arg4: memref<2x10000x128xf32, #tpu.memory_space<hbm>>, %arg5: memref<10112x128xf32, #tpu.memory_space<vmem_shared>>, %arg6: memref<2x128xi32, #tpu.memory_space<vmem>>, %arg7: memref<128x128xf32, #tpu.memory_space<vmem>>) attributes {dimension_semantics = [#tpu.dimension_semantics<core_parallel>, #tpu.dimension_semantics<subcore_parallel>], iteration_bounds = array<i64: 2, 16>, scalar_prefetch = 0 : i64, scratch_operands = 3 : i64, tpu.core_type = #tpu.core_type<sc_vector_subcore>, window_params = [{transform_indices = #map}, {transform_indices = #map1}, {transform_indices = #map1}]} {
    %mul3A = arith.constant 2 : i32
    %mul3A_0 = arith.muli %arg1, %mul3A : i32
    %add3A = arith.addi %mul3A_0, %arg0 : i32
    %mul3A_1 = arith.constant 624 : i32
    %mul3A_2 = arith.muli %arg1, %mul3A_1 : i32
    "tpu.region"() ({
      %run_scoped3A = tpu.sem_alloc : memref<!tpu.dma_semaphore, #tpu.memory_space<semaphore_mem>>
      %dma_start3A = arith.constant 0 : i32
      %dma_start3A_16 = tpu.memref_slice %arg5[%mul3A_2, %dma_start3A] : memref<10112x128xf32, #tpu.memory_space<vmem_shared>> -> memref<624x128xf32, #tpu.memory_space<vmem_shared>>
      %dma_start3A_17 = arith.constant 0 : i32
      %dma_start3A_18 = tpu.memref_slice %arg2[%mul3A_2, %dma_start3A_17] : memref<10000x128xf32, #tpu.memory_space<hbm>> -> memref<624x128xf32, #tpu.memory_space<hbm>>
      tpu.enqueue_dma source(%dma_start3A_18 : memref<624x128xf32, #tpu.memory_space<hbm>>) target(%dma_start3A_16 : memref<624x128xf32, #tpu.memory_space<vmem_shared>>) target_semaphore(%run_scoped3A : memref<!tpu.dma_semaphore, #tpu.memory_space<semaphore_mem>>)
      %dma_wait3A = arith.constant 0 : i32
      %dma_wait3A_19 = tpu.memref_slice %arg5[%mul3A_2, %dma_wait3A] : memref<10112x128xf32, #tpu.memory_space<vmem_shared>> -> memref<624x128xf32, #tpu.memory_space<vmem_shared>>
      %dma_wait3A_20 = arith.constant 0 : i32
      %dma_wait3A_21 = tpu.memref_slice %arg2[%mul3A_2, %dma_wait3A_20] : memref<10000x128xf32, #tpu.memory_space<hbm>> -> memref<624x128xf32, #tpu.memory_space<hbm>>
      tpu.wait_dma2 semaphore(%run_scoped3A : memref<!tpu.dma_semaphore, #tpu.memory_space<semaphore_mem>>) src(%dma_wait3A_21 : memref<624x128xf32, #tpu.memory_space<hbm>>) dst(%dma_wait3A_19 : memref<624x128xf32, #tpu.memory_space<vmem_shared>>)
      tpu.yield
    }) : () -> ()
    %eq3A = arith.constant 15 : i32
    %eq3A_3 = arith.cmpi eq, %arg1, %eq3A : i32
    %convert_element_type3A = arith.extui %eq3A_3 : i1 to i32
    %cond3A = arith.constant 0 : i32
    %cond3A_4 = arith.cmpi ne, %convert_element_type3A, %cond3A : i32
    scf.if %cond3A_4 {
      "tpu.region"() ({
        %run_scoped3A = tpu.sem_alloc : memref<!tpu.dma_semaphore, #tpu.memory_space<semaphore_mem>>
        %dma_start3A = arith.constant 9984 : i32
        %dma_start3A_16 = arith.constant 0 : i32
        %dma_start3A_17 = tpu.memref_slice %arg5[%dma_start3A, %dma_start3A_16] : memref<10112x128xf32, #tpu.memory_space<vmem_shared>> -> memref<16x128xf32, #tpu.memory_space<vmem_shared>>
        %dma_start3A_18 = arith.constant 9984 : i32
        %dma_start3A_19 = arith.constant 0 : i32
        %dma_start3A_20 = tpu.memref_slice %arg2[%dma_start3A_18, %dma_start3A_19] : memref<10000x128xf32, #tpu.memory_space<hbm>> -> memref<16x128xf32, #tpu.memory_space<hbm>>
        tpu.enqueue_dma source(%dma_start3A_20 : memref<16x128xf32, #tpu.memory_space<hbm>>) target(%dma_start3A_17 : memref<16x128xf32, #tpu.memory_space<vmem_shared>>) target_semaphore(%run_scoped3A : memref<!tpu.dma_semaphore, #tpu.memory_space<semaphore_mem>>)
        %dma_wait3A = arith.constant 9984 : i32
        %dma_wait3A_21 = arith.constant 0 : i32
        %dma_wait3A_22 = tpu.memref_slice %arg5[%dma_wait3A, %dma_wait3A_21] : memref<10112x128xf32, #tpu.memory_space<vmem_shared>> -> memref<16x128xf32, #tpu.memory_space<vmem_shared>>
        %dma_wait3A_23 = arith.constant 9984 : i32
        %dma_wait3A_24 = arith.constant 0 : i32
        %dma_wait3A_25 = tpu.memref_slice %arg2[%dma_wait3A_23, %dma_wait3A_24] : memref<10000x128xf32, #tpu.memory_space<hbm>> -> memref<16x128xf32, #tpu.memory_space<hbm>>
        tpu.wait_dma2 semaphore(%run_scoped3A : memref<!tpu.dma_semaphore, #tpu.memory_space<semaphore_mem>>) src(%dma_wait3A_25 : memref<16x128xf32, #tpu.memory_space<hbm>>) dst(%dma_wait3A_22 : memref<16x128xf32, #tpu.memory_space<vmem_shared>>)
        tpu.yield
      }) : () -> ()
    } else {
    }
    %barrier3A = arith.constant 0 : index
    tpu.barrier barrier_id(%barrier3A)
    %scan3A = arith.constant 0 : i32
    %scan3A_5 = arith.constant 0 : i32
    %scan3A_6 = arith.constant 80 : i32
    %scan3A_7 = arith.addi %scan3A_5, %scan3A_6 : i32
    %scan3A_8 = arith.constant 1 : i32
    scf.for %scan3A_16 = %scan3A_5 to %scan3A_7 step %scan3A_8  : i32 {
      %mul3A_17 = arith.constant 32 : i32
      %mul3A_18 = arith.muli %scan3A_16, %mul3A_17 : i32
      %add3A_19 = arith.addi %mul3A_18, %add3A : i32
      "tpu.region"() ({
        %run_scoped3A_21 = tpu.sem_alloc : memref<!tpu.dma_semaphore, #tpu.memory_space<semaphore_mem>>
        %dma_start3A = arith.constant 0 : i32
        %dma_start3A_22 = arith.constant 0 : i32
        %dma_start3A_23 = tpu.memref_slice %arg3[%add3A_19, %dma_start3A, %dma_start3A_22] : memref<2592x2x128xi32, #tpu.memory_space<hbm>> -> memref<1x2x128xi32, #tpu.memory_space<hbm>>
        %dma_start3A_24 = tpu.memref_squeeze %dma_start3A_23 : memref<1x2x128xi32, #tpu.memory_space<hbm>> -> memref<2x128xi32, #tpu.memory_space<hbm>>
        %dma_start3A_25 = arith.constant 0 : i32
        %dma_start3A_26 = arith.constant 0 : i32
        %dma_start3A_27 = tpu.memref_slice %arg3[%add3A_19, %dma_start3A_25, %dma_start3A_26] : memref<2592x2x128xi32, #tpu.memory_space<hbm>> -> memref<1x2x128xi32, #tpu.memory_space<hbm>>
        %dma_start3A_28 = tpu.memref_squeeze %dma_start3A_27 : memref<1x2x128xi32, #tpu.memory_space<hbm>> -> memref<2x128xi32, #tpu.memory_space<hbm>>
        tpu.enqueue_dma source(%dma_start3A_28 : memref<2x128xi32, #tpu.memory_space<hbm>>) target(%arg6 : memref<2x128xi32, #tpu.memory_space<vmem>>) target_semaphore(%run_scoped3A_21 : memref<!tpu.dma_semaphore, #tpu.memory_space<semaphore_mem>>)
        %dma_wait3A = arith.constant 0 : i32
        %dma_wait3A_29 = arith.constant 0 : i32
        %dma_wait3A_30 = tpu.memref_slice %arg3[%add3A_19, %dma_wait3A, %dma_wait3A_29] : memref<2592x2x128xi32, #tpu.memory_space<hbm>> -> memref<1x2x128xi32, #tpu.memory_space<hbm>>
        %dma_wait3A_31 = tpu.memref_squeeze %dma_wait3A_30 : memref<1x2x128xi32, #tpu.memory_space<hbm>> -> memref<2x128xi32, #tpu.memory_space<hbm>>
        %dma_wait3A_32 = arith.constant 0 : i32
        %dma_wait3A_33 = arith.constant 0 : i32
        %dma_wait3A_34 = tpu.memref_slice %arg3[%add3A_19, %dma_wait3A_32, %dma_wait3A_33] : memref<2592x2x128xi32, #tpu.memory_space<hbm>> -> memref<1x2x128xi32, #tpu.memory_space<hbm>>
        %dma_wait3A_35 = tpu.memref_squeeze %dma_wait3A_34 : memref<1x2x128xi32, #tpu.memory_space<hbm>> -> memref<2x128xi32, #tpu.memory_space<hbm>>
        tpu.wait_dma2 semaphore(%run_scoped3A_21 : memref<!tpu.dma_semaphore, #tpu.memory_space<semaphore_mem>>) src(%dma_wait3A_35 : memref<2x128xi32, #tpu.memory_space<hbm>>) dst(%arg6 : memref<2x128xi32, #tpu.memory_space<vmem>>)
        tpu.yield
      }) : () -> ()
      %run_scoped3A = arith.constant 0 : i32
      "tpu.region"() ({
        %run_scoped3A_21 = tpu.sem_alloc : memref<!tpu.dma_semaphore, #tpu.memory_space<semaphore_mem>>
        %dma_start3A = arith.constant 0 : i32
        %dma_start3A_22 = tpu.memref_slice %arg6[%run_scoped3A, %dma_start3A] : memref<2x128xi32, #tpu.memory_space<vmem>> -> memref<1x128xi32, #tpu.memory_space<vmem>>
        %dma_start3A_23 = tpu.memref_squeeze %dma_start3A_22 : memref<1x128xi32, #tpu.memory_space<vmem>> -> memref<128xi32, #tpu.memory_space<vmem>>
        %dma_start3A_24 = arith.constant 0 : i32
        %dma_start3A_25 = arith.constant 0 : i32
        %dma_start3A_26 = tpu.memref_slice %arg2[%dma_start3A_24, %dma_start3A_25] : memref<10000x128xf32, #tpu.memory_space<hbm>> -> memref<10000x128xf32, #tpu.memory_space<hbm>>
        tpu.enqueue_indirect_dma source(%dma_start3A_26 : memref<10000x128xf32, #tpu.memory_space<hbm>>) target(%arg7 : memref<128x128xf32, #tpu.memory_space<vmem>>) offsets(%dma_start3A_23 : memref<128xi32, #tpu.memory_space<vmem>>) semaphore(%run_scoped3A_21 : memref<!tpu.dma_semaphore, #tpu.memory_space<semaphore_mem>>)
        %dma_wait3A = arith.constant 0 : i32
        %dma_wait3A_27 = tpu.memref_slice %arg6[%run_scoped3A, %dma_wait3A] : memref<2x128xi32, #tpu.memory_space<vmem>> -> memref<1x128xi32, #tpu.memory_space<vmem>>
        %dma_wait3A_28 = tpu.memref_squeeze %dma_wait3A_27 : memref<1x128xi32, #tpu.memory_space<vmem>> -> memref<128xi32, #tpu.memory_space<vmem>>
        %dma_wait3A_29 = arith.constant 0 : i32
        %dma_wait3A_30 = arith.constant 0 : i32
        %dma_wait3A_31 = tpu.memref_slice %arg2[%dma_wait3A_29, %dma_wait3A_30] : memref<10000x128xf32, #tpu.memory_space<hbm>> -> memref<10000x128xf32, #tpu.memory_space<hbm>>
        tpu.wait_indirect_dma semaphore(%run_scoped3A_21 : memref<!tpu.dma_semaphore, #tpu.memory_space<semaphore_mem>>) src(%dma_wait3A_31 : memref<10000x128xf32, #tpu.memory_space<hbm>>) dst(%arg7 : memref<128x128xf32, #tpu.memory_space<vmem>>)
        tpu.yield
      }) : () -> ()
      %run_scoped3A_20 = arith.constant 1 : i32
      "tpu.region"() ({
        %run_scoped3A_21 = tpu.sem_alloc : memref<!tpu.dma_semaphore, #tpu.memory_space<semaphore_mem>>
        %dma_start3A = arith.constant 0 : i32
        %dma_start3A_22 = tpu.memref_slice %arg6[%run_scoped3A_20, %dma_start3A] : memref<2x128xi32, #tpu.memory_space<vmem>> -> memref<1x128xi32, #tpu.memory_space<vmem>>
        %dma_start3A_23 = tpu.memref_squeeze %dma_start3A_22 : memref<1x128xi32, #tpu.memory_space<vmem>> -> memref<128xi32, #tpu.memory_space<vmem>>
        %dma_start3A_24 = arith.constant 0 : i32
        %dma_start3A_25 = arith.constant 0 : i32
        %dma_start3A_26 = tpu.memref_slice %arg5[%dma_start3A_24, %dma_start3A_25] : memref<10112x128xf32, #tpu.memory_space<vmem_shared>> -> memref<10112x128xf32, #tpu.memory_space<vmem_shared>>
        tpu.enqueue_indirect_dma source(%arg7 : memref<128x128xf32, #tpu.memory_space<vmem>>) target(%dma_start3A_26 : memref<10112x128xf32, #tpu.memory_space<vmem_shared>>) offsets(%dma_start3A_23 : memref<128xi32, #tpu.memory_space<vmem>>) semaphore(%run_scoped3A_21 : memref<!tpu.dma_semaphore, #tpu.memory_space<semaphore_mem>>) {add = true}
        %dma_wait3A = arith.constant 0 : i32
        %dma_wait3A_27 = tpu.memref_slice %arg6[%run_scoped3A_20, %dma_wait3A] : memref<2x128xi32, #tpu.memory_space<vmem>> -> memref<1x128xi32, #tpu.memory_space<vmem>>
        %dma_wait3A_28 = tpu.memref_squeeze %dma_wait3A_27 : memref<1x128xi32, #tpu.memory_space<vmem>> -> memref<128xi32, #tpu.memory_space<vmem>>
        %dma_wait3A_29 = arith.constant 0 : i32
        %dma_wait3A_30 = arith.constant 0 : i32
        %dma_wait3A_31 = tpu.memref_slice %arg5[%dma_wait3A_29, %dma_wait3A_30] : memref<10112x128xf32, #tpu.memory_space<vmem_shared>> -> memref<10112x128xf32, #tpu.memory_space<vmem_shared>>
        tpu.wait_indirect_dma semaphore(%run_scoped3A_21 : memref<!tpu.dma_semaphore, #tpu.memory_space<semaphore_mem>>) src(%arg7 : memref<128x128xf32, #tpu.memory_space<vmem>>) dst(%dma_wait3A_31 : memref<10112x128xf32, #tpu.memory_space<vmem_shared>>)
        tpu.yield
      }) : () -> ()
    }
    %scan3A_9 = arith.constant 80 : i32
    %barrier3A_10 = arith.constant 0 : index
    tpu.barrier barrier_id(%barrier3A_10)
    "tpu.region"() ({
      %run_scoped3A = tpu.sem_alloc : memref<!tpu.dma_semaphore, #tpu.memory_space<semaphore_mem>>
      %dma_start3A = arith.constant 0 : i32
      %dma_start3A_16 = tpu.memref_slice %arg4[%arg0, %mul3A_2, %dma_start3A] : memref<2x10000x128xf32, #tpu.memory_space<hbm>> -> memref<1x624x128xf32, #tpu.memory_space<hbm>>
      %dma_start3A_17 = tpu.memref_squeeze %dma_start3A_16 : memref<1x624x128xf32, #tpu.memory_space<hbm>> -> memref<624x128xf32, #tpu.memory_space<hbm>>
      %dma_start3A_18 = arith.constant 0 : i32
      %dma_start3A_19 = tpu.memref_slice %arg5[%mul3A_2, %dma_start3A_18] : memref<10112x128xf32, #tpu.memory_space<vmem_shared>> -> memref<624x128xf32, #tpu.memory_space<vmem_shared>>
      tpu.enqueue_dma source(%dma_start3A_19 : memref<624x128xf32, #tpu.memory_space<vmem_shared>>) target(%dma_start3A_17 : memref<624x128xf32, #tpu.memory_space<hbm>>) target_semaphore(%run_scoped3A : memref<!tpu.dma_semaphore, #tpu.memory_space<semaphore_mem>>)
      %dma_wait3A = arith.constant 0 : i32
      %dma_wait3A_20 = tpu.memref_slice %arg4[%arg0, %mul3A_2, %dma_wait3A] : memref<2x10000x128xf32, #tpu.memory_space<hbm>> -> memref<1x624x128xf32, #tpu.memory_space<hbm>>
      %dma_wait3A_21 = tpu.memref_squeeze %dma_wait3A_20 : memref<1x624x128xf32, #tpu.memory_space<hbm>> -> memref<624x128xf32, #tpu.memory_space<hbm>>
      %dma_wait3A_22 = arith.constant 0 : i32
      %dma_wait3A_23 = tpu.memref_slice %arg5[%mul3A_2, %dma_wait3A_22] : memref<10112x128xf32, #tpu.memory_space<vmem_shared>> -> memref<624x128xf32, #tpu.memory_space<vmem_shared>>
      tpu.wait_dma2 semaphore(%run_scoped3A : memref<!tpu.dma_semaphore, #tpu.memory_space<semaphore_mem>>) src(%dma_wait3A_23 : memref<624x128xf32, #tpu.memory_space<vmem_shared>>) dst(%dma_wait3A_21 : memref<624x128xf32, #tpu.memory_space<hbm>>)
      tpu.yield
    }) : () -> ()
    %eq3A_11 = arith.constant 15 : i32
    %eq3A_12 = arith.cmpi eq, %arg1, %eq3A_11 : i32
    %convert_element_type3A_13 = arith.extui %eq3A_12 : i1 to i32
    %cond3A_14 = arith.constant 0 : i32
    %cond3A_15 = arith.cmpi ne, %convert_element_type3A_13, %cond3A_14 : i32
    scf.if %cond3A_15 {
      "tpu.region"() ({
        %run_scoped3A = tpu.sem_alloc : memref<!tpu.dma_semaphore, #tpu.memory_space<semaphore_mem>>
        %dma_start3A = arith.constant 9984 : i32
        %dma_start3A_16 = arith.constant 0 : i32
        %dma_start3A_17 = tpu.memref_slice %arg4[%arg0, %dma_start3A, %dma_start3A_16] : memref<2x10000x128xf32, #tpu.memory_space<hbm>> -> memref<1x16x128xf32, #tpu.memory_space<hbm>>
        %dma_start3A_18 = tpu.memref_squeeze %dma_start3A_17 : memref<1x16x128xf32, #tpu.memory_space<hbm>> -> memref<16x128xf32, #tpu.memory_space<hbm>>
        %dma_start3A_19 = arith.constant 9984 : i32
        %dma_start3A_20 = arith.constant 0 : i32
        %dma_start3A_21 = tpu.memref_slice %arg5[%dma_start3A_19, %dma_start3A_20] : memref<10112x128xf32, #tpu.memory_space<vmem_shared>> -> memref<16x128xf32, #tpu.memory_space<vmem_shared>>
        tpu.enqueue_dma source(%dma_start3A_21 : memref<16x128xf32, #tpu.memory_space<vmem_shared>>) target(%dma_start3A_18 : memref<16x128xf32, #tpu.memory_space<hbm>>) target_semaphore(%run_scoped3A : memref<!tpu.dma_semaphore, #tpu.memory_space<semaphore_mem>>)
        %dma_wait3A = arith.constant 9984 : i32
        %dma_wait3A_22 = arith.constant 0 : i32
        %dma_wait3A_23 = tpu.memref_slice %arg4[%arg0, %dma_wait3A, %dma_wait3A_22] : memref<2x10000x128xf32, #tpu.memory_space<hbm>> -> memref<1x16x128xf32, #tpu.memory_space<hbm>>
        %dma_wait3A_24 = tpu.memref_squeeze %dma_wait3A_23 : memref<1x16x128xf32, #tpu.memory_space<hbm>> -> memref<16x128xf32, #tpu.memory_space<hbm>>
        %dma_wait3A_25 = arith.constant 9984 : i32
        %dma_wait3A_26 = arith.constant 0 : i32
        %dma_wait3A_27 = tpu.memref_slice %arg5[%dma_wait3A_25, %dma_wait3A_26] : memref<10112x128xf32, #tpu.memory_space<vmem_shared>> -> memref<16x128xf32, #tpu.memory_space<vmem_shared>>
        tpu.wait_dma2 semaphore(%run_scoped3A : memref<!tpu.dma_semaphore, #tpu.memory_space<semaphore_mem>>) src(%dma_wait3A_27 : memref<16x128xf32, #tpu.memory_space<vmem_shared>>) dst(%dma_wait3A_24 : memref<16x128xf32, #tpu.memory_space<hbm>>)
        tpu.yield
      }) : () -> ()
    } else {
    }
    return
  }
}

module attributes {stable_mosaic.version = 14 : i64} {
  func.func @body(%arg0: i32, %arg1: memref<1024x128xf32, #tpu.memory_space<vmem>>, %arg2: memref<128x128xf32, #tpu.memory_space<vmem>>, %arg3: memref<32x1024xf32, #tpu.memory_space<vmem>>, %arg4: memref<1024x128xf32, #tpu.memory_space<vmem>>, %arg5: memref<1024x128xf32, #tpu.memory_space<vmem>>) attributes {dimension_semantics = [#tpu.dimension_semantics<arbitrary>], iteration_bounds = array<i64: 10>, scalar_prefetch = 0 : i64, scratch_operands = 0 : i64, tpu.core_type = #tpu.core_type<tc>, window_params = [{transform_indices = @transform_0, window_bounds = array<i64: 1024, 128>}, {pipeline_mode = #tpu.pipeline_mode<synchronous>, transform_indices = @transform_1, window_bounds = array<i64: 128, 128>}, {transform_indices = @transform_2, window_bounds = array<i64: 32, 1024>}, {transform_indices = @transform_3, window_bounds = array<i64: 1024, 128>}, {transform_indices = @transform_4, window_bounds = array<i64: 1024, 128>}]} {
    %get3A = arith.constant 0 : index
    %get3A_0 = arith.constant 0 : index
    %get3A_1 = vector.load %arg3[%get3A, %get3A_0] : memref<32x1024xf32, #tpu.memory_space<vmem>>, vector<32x1024xf32>
    %reduce_sum3A = arith.constant dense<0.000000e+00> : vector<1024xf32>
    %reduce_sum3A_2 = vector.multi_reduction <add>, %get3A_1, %reduce_sum3A [0] : vector<32x1024xf32> to vector<1024xf32>
    %add3A = arith.constant 1.000000e+00 : f32
    %add3A_3 = vector.broadcast %add3A : f32 to vector<1024xf32>
    %add3A_4 = arith.addf %reduce_sum3A_2, %add3A_3 : vector<1024xf32>
    %rsqrt3A = math.rsqrt %add3A_4 : vector<1024xf32>
    %broadcast_in_dim3A = vector.shape_cast %rsqrt3A : vector<1024xf32> to vector<1024x1xf32>
    %get3A_5 = arith.constant 0 : index
    %get3A_6 = arith.constant 0 : index
    %get3A_7 = vector.load %arg1[%get3A_5, %get3A_6] : memref<1024x128xf32, #tpu.memory_space<vmem>>, vector<1024x128xf32>
    %get3A_8 = arith.constant 0 : index
    %get3A_9 = arith.constant 0 : index
    %get3A_10 = vector.load %arg2[%get3A_8, %get3A_9] : memref<128x128xf32, #tpu.memory_space<vmem>>, vector<128x128xf32>
    %dot_general3A = arith.constant dense<0.000000e+00> : vector<1024x128xf32>
    %dot_general3A_11 = tpu.matmul %get3A_7, %get3A_10, %dot_general3A {dimension_numbers = #tpu.dot_dimension_numbers<[1], [1], [0], [0], [0, 0, 1, 0], [], []>, transpose_lhs_hint = false} : vector<1024x128xf32>, vector<128x128xf32>, vector<1024x128xf32> -> vector<1024x128xf32>
    %mul3A = vector.broadcast %broadcast_in_dim3A : vector<1024x1xf32> to vector<1024x128xf32>
    %mul3A_12 = arith.mulf %dot_general3A_11, %mul3A : vector<1024x128xf32>
    %swap3A = arith.constant 0 : index
    %swap3A_13 = arith.constant 0 : index
    %swap3A_14 = vector.load %arg4[%swap3A, %swap3A_13] : memref<1024x128xf32, #tpu.memory_space<vmem>>, vector<1024x128xf32>
    tpu.vector_store %arg4[%swap3A, %swap3A_13], %mul3A_12 {strides = array<i32>} : memref<1024x128xf32, #tpu.memory_space<vmem>>, vector<1024x128xf32>,
    %broadcast_in_dim3A_15 = vector.shape_cast %broadcast_in_dim3A : vector<1024x1xf32> to vector<1024x1xf32>
    %broadcast_in_dim3A_16 = vector.broadcast %broadcast_in_dim3A_15 : vector<1024x1xf32> to vector<1024x128xf32>
    %swap3A_17 = arith.constant 0 : index
    %swap3A_18 = arith.constant 0 : index
    %swap3A_19 = vector.load %arg5[%swap3A_17, %swap3A_18] : memref<1024x128xf32, #tpu.memory_space<vmem>>, vector<1024x128xf32>
    tpu.vector_store %arg5[%swap3A_17, %swap3A_18], %broadcast_in_dim3A_16 {strides = array<i32>} : memref<1024x128xf32, #tpu.memory_space<vmem>>, vector<1024x128xf32>,
    return
  }
  func.func @transform_0(%arg0: i32) -> (i32, i32) {
    %c0_i32 = arith.constant 0 : i32
    %c0_i32_0 = arith.constant 0 : i32
    return %arg0, %c0_i32 : i32, i32
  }
  func.func @transform_1(%arg0: i32) -> (i32, i32) {
    %c0_i32 = arith.constant 0 : i32
    %c0_i32_0 = arith.constant 0 : i32
    %c0_i32_1 = arith.constant 0 : i32
    return %c0_i32, %c0_i32_0 : i32, i32
  }
  func.func @transform_2(%arg0: i32) -> (i32, i32) {
    %c0_i32 = arith.constant 0 : i32
    %c0_i32_0 = arith.constant 0 : i32
    return %c0_i32, %arg0 : i32, i32
  }
  func.func @transform_3(%arg0: i32) -> (i32, i32) {
    %c0_i32 = arith.constant 0 : i32
    %c0_i32_0 = arith.constant 0 : i32
    return %arg0, %c0_i32 : i32, i32
  }
  func.func @transform_4(%arg0: i32) -> (i32, i32) {
    %c0_i32 = arith.constant 0 : i32
    %c0_i32_0 = arith.constant 0 : i32
    return %arg0, %c0_i32 : i32, i32
  }
}

module attributes {stable_mosaic.version = 14 : i64} {
  func.func @body(%arg0: i32, %arg1: memref<2x1024x128xf32, #tpu.memory_space<vmem>>, %arg2: memref<1024x128xf32, #tpu.memory_space<vmem>>, %arg3: memref<1024x128xf32, #tpu.memory_space<vmem>>, %arg4: memref<1x128xf32, #tpu.memory_space<vmem>>, %arg5: memref<128x128xf32, #tpu.memory_space<vmem>>, %arg6: memref<1024x128xf32, #tpu.memory_space<vmem>>) attributes {dimension_semantics = [#tpu.dimension_semantics<arbitrary>], iteration_bounds = array<i64: 10>, scalar_prefetch = 0 : i64, scratch_operands = 0 : i64, tpu.core_type = #tpu.core_type<tc>, window_params = [{transform_indices = @transform_0, window_bounds = array<i64: 2, 1024, 128>}, {transform_indices = @transform_1, window_bounds = array<i64: 1024, 128>}, {transform_indices = @transform_2, window_bounds = array<i64: 1024, 128>}, {pipeline_mode = #tpu.pipeline_mode<synchronous>, transform_indices = @transform_3, window_bounds = array<i64: 1, 128>}, {pipeline_mode = #tpu.pipeline_mode<synchronous>, transform_indices = @transform_4, window_bounds = array<i64: 128, 128>}, {transform_indices = @transform_5, window_bounds = array<i64: 1024, 128>}]} {
    %get3A = arith.constant 0 : index
    %get3A_0 = arith.constant 0 : index
    %get3A_1 = arith.constant 0 : index
    %get3A_2 = vector.load %arg1[%get3A, %get3A_0, %get3A_1] : memref<2x1024x128xf32, #tpu.memory_space<vmem>>, vector<1x1024x128xf32>
    %get3A_3 = vector.shape_cast %get3A_2 : vector<1x1024x128xf32> to vector<1024x128xf32>
    %get3A_4 = arith.constant 1 : index
    %get3A_5 = arith.constant 0 : index
    %get3A_6 = arith.constant 0 : index
    %get3A_7 = vector.load %arg1[%get3A_4, %get3A_5, %get3A_6] : memref<2x1024x128xf32, #tpu.memory_space<vmem>>, vector<1x1024x128xf32>
    %get3A_8 = vector.shape_cast %get3A_7 : vector<1x1024x128xf32> to vector<1024x128xf32>
    %add3A = arith.addf %get3A_3, %get3A_8 : vector<1024x128xf32>
    %get3A_9 = arith.constant 0 : index
    %get3A_10 = arith.constant 0 : index
    %get3A_11 = vector.load %arg2[%get3A_9, %get3A_10] : memref<1024x128xf32, #tpu.memory_space<vmem>>, vector<1024x128xf32>
    %sub3A = arith.subf %add3A, %get3A_11 : vector<1024x128xf32>
    %get3A_12 = arith.constant 0 : index
    %get3A_13 = arith.constant 0 : index
    %get3A_14 = vector.load %arg3[%get3A_12, %get3A_13] : memref<1024x128xf32, #tpu.memory_space<vmem>>, vector<1024x128xf32>
    %mul3A = arith.mulf %sub3A, %get3A_14 : vector<1024x128xf32>
    %get3A_15 = arith.constant 0 : index
    %get3A_16 = arith.constant 0 : index
    %get3A_17 = vector.load %arg4[%get3A_15, %get3A_16] : memref<1x128xf32, #tpu.memory_space<vmem>>, vector<1x128xf32>
    %add3A_18 = vector.broadcast %get3A_17 : vector<1x128xf32> to vector<1024x128xf32>
    %add3A_19 = arith.addf %mul3A, %add3A_18 : vector<1024x128xf32>
    %max3A = arith.constant 0.000000e+00 : f32
    %max3A_20 = vector.broadcast %max3A : f32 to vector<1024x128xf32>
    %max3A_21 = arith.maximumf %add3A_19, %max3A_20 : vector<1024x128xf32>
    %get3A_22 = arith.constant 0 : index
    %get3A_23 = arith.constant 0 : index
    %get3A_24 = vector.load %arg5[%get3A_22, %get3A_23] : memref<128x128xf32, #tpu.memory_space<vmem>>, vector<128x128xf32>
    %dot_general3A = arith.constant dense<0.000000e+00> : vector<1024x128xf32>
    %dot_general3A_25 = tpu.matmul %max3A_21, %get3A_24, %dot_general3A {dimension_numbers = #tpu.dot_dimension_numbers<[1], [1], [0], [0], [0, 0, 1, 0], [], []>, transpose_lhs_hint = false} : vector<1024x128xf32>, vector<128x128xf32>, vector<1024x128xf32> -> vector<1024x128xf32>
    %get3A_26 = arith.constant 0 : index
    %get3A_27 = arith.constant 0 : index
    %get3A_28 = vector.load %arg3[%get3A_26, %get3A_27] : memref<1024x128xf32, #tpu.memory_space<vmem>>, vector<1024x128xf32>
    %mul3A_29 = arith.mulf %dot_general3A_25, %get3A_28 : vector<1024x128xf32>
    %swap3A = arith.constant 0 : index
    %swap3A_30 = arith.constant 0 : index
    %swap3A_31 = vector.load %arg6[%swap3A, %swap3A_30] : memref<1024x128xf32, #tpu.memory_space<vmem>>, vector<1024x128xf32>
    tpu.vector_store %arg6[%swap3A, %swap3A_30], %mul3A_29 {strides = array<i32>} : memref<1024x128xf32, #tpu.memory_space<vmem>>, vector<1024x128xf32>,
    return
  }
  func.func @transform_0(%arg0: i32) -> (i32, i32, i32) {
    %c0_i32 = arith.constant 0 : i32
    %c0_i32_0 = arith.constant 0 : i32
    %c0_i32_1 = arith.constant 0 : i32
    return %c0_i32, %arg0, %c0_i32_0 : i32, i32, i32
  }
  func.func @transform_1(%arg0: i32) -> (i32, i32) {
    %c0_i32 = arith.constant 0 : i32
    %c0_i32_0 = arith.constant 0 : i32
    return %arg0, %c0_i32 : i32, i32
  }
  func.func @transform_2(%arg0: i32) -> (i32, i32) {
    %c0_i32 = arith.constant 0 : i32
    %c0_i32_0 = arith.constant 0 : i32
    return %arg0, %c0_i32 : i32, i32
  }
  func.func @transform_3(%arg0: i32) -> (i32, i32) {
    %c0_i32 = arith.constant 0 : i32
    %c0_i32_0 = arith.constant 0 : i32
    %c0_i32_1 = arith.constant 0 : i32
    return %c0_i32, %c0_i32_0 : i32, i32
  }
  func.func @transform_4(%arg0: i32) -> (i32, i32) {
    %c0_i32 = arith.constant 0 : i32
    %c0_i32_0 = arith.constant 0 : i32
    %c0_i32_1 = arith.constant 0 : i32
    return %c0_i32, %c0_i32_0 : i32, i32
  }
  func.func @transform_5(%arg0: i32) -> (i32, i32) {
    %c0_i32 = arith.constant 0 : i32
    %c0_i32_0 = arith.constant 0 : i32
    return %arg0, %c0_i32 : i32, i32
  }
}

module attributes {stable_mosaic.version = 14 : i64} {
  func.func @body(%arg0: i32, %arg1: memref<2x1024x128xf32, #tpu.memory_space<vmem>>, %arg2: memref<1024x128xf32, #tpu.memory_space<vmem>>, %arg3: memref<1024x128xf32, #tpu.memory_space<vmem>>, %arg4: memref<1x128xf32, #tpu.memory_space<vmem>>, %arg5: memref<1024x128xf32, #tpu.memory_space<vmem>>) attributes {dimension_semantics = [#tpu.dimension_semantics<arbitrary>], iteration_bounds = array<i64: 10>, scalar_prefetch = 0 : i64, scratch_operands = 0 : i64, tpu.core_type = #tpu.core_type<tc>, window_params = [{transform_indices = @transform_0, window_bounds = array<i64: 2, 1024, 128>}, {transform_indices = @transform_1, window_bounds = array<i64: 1024, 128>}, {transform_indices = @transform_2, window_bounds = array<i64: 1024, 128>}, {pipeline_mode = #tpu.pipeline_mode<synchronous>, transform_indices = @transform_3, window_bounds = array<i64: 1, 128>}, {transform_indices = @transform_4, window_bounds = array<i64: 1024, 128>}]} {
    %get3A = arith.constant 0 : index
    %get3A_0 = arith.constant 0 : index
    %get3A_1 = arith.constant 0 : index
    %get3A_2 = vector.load %arg1[%get3A, %get3A_0, %get3A_1] : memref<2x1024x128xf32, #tpu.memory_space<vmem>>, vector<1x1024x128xf32>
    %get3A_3 = vector.shape_cast %get3A_2 : vector<1x1024x128xf32> to vector<1024x128xf32>
    %get3A_4 = arith.constant 1 : index
    %get3A_5 = arith.constant 0 : index
    %get3A_6 = arith.constant 0 : index
    %get3A_7 = vector.load %arg1[%get3A_4, %get3A_5, %get3A_6] : memref<2x1024x128xf32, #tpu.memory_space<vmem>>, vector<1x1024x128xf32>
    %get3A_8 = vector.shape_cast %get3A_7 : vector<1x1024x128xf32> to vector<1024x128xf32>
    %add3A = arith.addf %get3A_3, %get3A_8 : vector<1024x128xf32>
    %get3A_9 = arith.constant 0 : index
    %get3A_10 = arith.constant 0 : index
    %get3A_11 = vector.load %arg2[%get3A_9, %get3A_10] : memref<1024x128xf32, #tpu.memory_space<vmem>>, vector<1024x128xf32>
    %sub3A = arith.subf %add3A, %get3A_11 : vector<1024x128xf32>
    %get3A_12 = arith.constant 0 : index
    %get3A_13 = arith.constant 0 : index
    %get3A_14 = vector.load %arg3[%get3A_12, %get3A_13] : memref<1024x128xf32, #tpu.memory_space<vmem>>, vector<1024x128xf32>
    %mul3A = arith.mulf %sub3A, %get3A_14 : vector<1024x128xf32>
    %get3A_15 = arith.constant 0 : index
    %get3A_16 = arith.constant 0 : index
    %get3A_17 = vector.load %arg4[%get3A_15, %get3A_16] : memref<1x128xf32, #tpu.memory_space<vmem>>, vector<1x128xf32>
    %add3A_18 = vector.broadcast %get3A_17 : vector<1x128xf32> to vector<1024x128xf32>
    %add3A_19 = arith.addf %mul3A, %add3A_18 : vector<1024x128xf32>
    %swap3A = arith.constant 0 : index
    %swap3A_20 = arith.constant 0 : index
    %swap3A_21 = vector.load %arg5[%swap3A, %swap3A_20] : memref<1024x128xf32, #tpu.memory_space<vmem>>, vector<1024x128xf32>
    tpu.vector_store %arg5[%swap3A, %swap3A_20], %add3A_19 {strides = array<i32>} : memref<1024x128xf32, #tpu.memory_space<vmem>>, vector<1024x128xf32>,
    return
  }
  func.func @transform_0(%arg0: i32) -> (i32, i32, i32) {
    %c0_i32 = arith.constant 0 : i32
    %c0_i32_0 = arith.constant 0 : i32
    %c0_i32_1 = arith.constant 0 : i32
    return %c0_i32, %arg0, %c0_i32_0 : i32, i32, i32
  }
  func.func @transform_1(%arg0: i32) -> (i32, i32) {
    %c0_i32 = arith.constant 0 : i32
    %c0_i32_0 = arith.constant 0 : i32
    return %arg0, %c0_i32 : i32, i32
  }
  func.func @transform_2(%arg0: i32) -> (i32, i32) {
    %c0_i32 = arith.constant 0 : i32
    %c0_i32_0 = arith.constant 0 : i32
    return %arg0, %c0_i32 : i32, i32
  }
  func.func @transform_3(%arg0: i32) -> (i32, i32) {
    %c0_i32 = arith.constant 0 : i32
    %c0_i32_0 = arith.constant 0 : i32
    %c0_i32_1 = arith.constant 0 : i32
    return %c0_i32, %c0_i32_0 : i32, i32
  }
  func.func @transform_4(%arg0: i32) -> (i32, i32) {
    %c0_i32 = arith.constant 0 : i32
    %c0_i32_0 = arith.constant 0 : i32
    return %arg0, %c0_i32 : i32, i32
  }
}

</mosaic_0001>

<sc_bundles>
// kernel: kernel.11.cloned.1.call-start
scs
__scs_entry_jumppad:
0x0: {  	(pc) =	sbr.rel $0x88, $3  }
0x1: {  	(tag) =	ssettag $0x0;
	lr =	simm.s32 $0x1  }
0x2: {  	[smem:$0x3F9B] =	sst lr;
	_ =	strace $0xD0000000  }
0x3: {  	_ = 	snop  }
0x4: {  	_ = 	snop  }
0x5: {  	_ = 	snop  }
0x6: {  	_ = 	snop  }
0x7: {  	_ = 	snop  }
__scs_overlays_trampoline_lowered:
0x8: {  	[smem:$0x3FAA] =	sst s0  }
0x9: {  	[smem:$0x3FAB] =	sst s1  }
0xa: {  	[smem:$0x3FAC] =	sst s2  }
0xb: {  	[smem:$0x3FAD] =	sst s3  }
0xc: {  	[smem:$0x3FAE] =	sst s4  }
0xd: {  	[smem:$0x3FAF] =	sst s5  }
0xe: {  	[smem:$0x3FB0] =	sst s6  }
0xf: {  	[smem:$0x3FB1] =	sst s7  }
0x10: {  	[smem:$0x3FB2] =	sst s8  }
0x11: {  	[smem:$0x3FB3] =	sst s9;
	s0 =	simm.s32 @!p0 $0x0  }
0x12: {  	s1 =	sld [smem:$0x3F99];
	s0 =	simm.s32 @p0 $0x1  }
0x13: {  	[smem:$0x3FB4] =	sst s0;
	s0 =	simm.s32 @!p1 $0x0  }
0x14: {  	s2 =	sld [smem:$0x3F98];
	s0 =	simm.s32 @p1 $0x1  }
0x15: {  	[smem:$0x3FB5] =	sst s0;
	s0 =	simm.s32 @!p2 $0x0  }
0x16: {  	s3 =	sld [smem:$0x3FDB];
	s0 =	simm.s32 @p2 $0x1  }
0x17: {  	s4 =	simm.s32 $0x1BF5;
	[smem:$0x3FB7] =	sst s0  }
0x18: {  	s0 =	sld [smem:$0x3F9A];
	_ =	swait.ge [sflag:s4], $0x0  }
0x19: {  	s7 =	sld [smem:$0x3F9B]  }
0x1a: {  	s8 =	sadd.s32 $0xFFFFE003, lr  }
0x1b: {  	s9 =	sadd.s32 $0xFFFFFEF7, lr;
	s5 =	simm.s32 $0xFFFFFFFF;
	p2 =	slt.u32 s8, $0xFFFFF086  }
0x1c: {  	p1 =	slt.u32 s9, $0xF7A;
	s5 =	simm.s32 @!p2 $0x0  }
0x1d: {  	s5 =	simm.s32 @p1 $0x1;
	p0 =	seq.s32 s7, s2  }
0x1e: {  	s7 =	smul.u32 @!p0 $0xF7A, s2;
	p2 =	seq.s32 @!p0 s5, $0x0  }
0x1f: {  	s9 =	smul.u32 $0xF7A, s1;
	s8 =	simm.s32 @!p0 $0x1BF5;
	p2 =	por !p2, p0  }
0x20: {  	[sflag:s8] =	ssyncset.s32 @!p0 $0xFFFFF086;
	s6 =	sadd.s32 @!p0 s3, s7;
	s7 =	simm.s32 @!p0 $0x108  }
0x21: {  	s3 =	sadd.s32 s3, s9;
	s6 =	sadd.s32 @!p0 $0x88, s6;
	s7 =	simm.s32 @p2 $0x1082  }
0x22: {  	[simem:s7], [sflag:s8] =	dma.local @!p0 [hbm:s6], $0xF7A  }
0x23: {  	s9 =	sor.u32 $0xD0000000, s2;
	s6 =	simm.s32 $0x108;
	_ =	swait.ge @!p0 [sflag:s8], $0x0  }
0x24: {  	s3 =	sadd.s32 $0x88, s3;
	s6 =	simm.s32 @!p1 $0x1082;
	[sflag:s4] =	ssyncset.s32 $0xFFFFF086  }
0x25: {  	[simem:s6], [sflag:s4] =	dma.local [hbm:s3], $0xF7A  }
0x26: {  	[smem:$0x3F9B] =	sst s1;
	(tag) =	ssettag s2;
	_ =	strace s9  }
0x27: {  	s1 =	sld [smem:$0x3FAB]  }
0x28: {  	s2 =	sld [smem:$0x3FAC]  }
0x29: {  	s4 =	sld [smem:$0x3FAE]  }
0x2a: {  	p0 =	seq.s32 s5, $0x0;
	s5 =	sld [smem:$0x3FAF]  }
0x2b: {  	s6 =	sld [smem:$0x3FB0]  }
0x2c: {  	s7 =	sld [smem:$0x3FB1]  }
0x2d: {  	s3 =	simm.s32 $0x108;
	s8 =	sld [smem:$0x3FB2]  }
0x2e: {  	s3 =	simm.s32 @!p0 $0x1082;
	s9 =	sld [smem:$0x3FB3]  }
0x2f: {  	lr =	sadd.s32 s0, s3;
	s0 =	sld [smem:$0x3FAA]  }
0x30: {  	s3 =	sld [smem:$0x3FAD]  }
0x31: {  	[smem:$0x3FB6] =	sst s10  }
0x32: {  	s10 =	sld [smem:$0x3FB4];
	_ =	sdelay $0x3  }
0x33: {  	p0 =	seq.s32 s10, $0x1;
	s10 =	sld [smem:$0x3FB6];
	_ =	sdelay $0x3  }
0x34: {  	[smem:$0x3FB6] =	sst s10  }
0x35: {  	s10 =	sld [smem:$0x3FB5];
	_ =	sdelay $0x3  }
0x36: {  	p1 =	seq.s32 s10, $0x1;
	s10 =	sld [smem:$0x3FB6];
	_ =	sdelay $0x3  }
0x37: {  	[smem:$0x3FB6] =	sst s10  }
0x38: {  	s10 =	sld [smem:$0x3FB7]  }
0x39: {  	_ = 	snop;
	(pc) =	sbr.ind lr, $3  }
0x3a: {  	_ = 	snop  }
0x3b: {  	_ = 	snop  }
0x3c: {  	p2 =	seq.s32 s10, $0x1;
	s10 =	sld [smem:$0x3FB6]  }
0x3d: {  	_ =	shalt  }
0x3e: {  	_ =	shalt  }
0x3f: {  	_ =	shalt  }
0x40: {  	_ =	shalt  }
0x41: {  	_ =	shalt  }
0x42: {  	_ =	shalt  }
0x43: {  	_ =	shalt  }
0x44: {  	_ =	shalt  }
0x45: {  	_ =	shalt  }
0x46: {  	_ =	shalt  }
0x47: {  	_ =	shalt  }
0x48: {  	_ =	shalt  }
0x49: {  	_ =	shalt  }
0x4a: {  	_ =	shalt  }
0x4b: {  	_ =	shalt  }
0x4c: {  	_ =	shalt  }
0x4d: {  	_ =	shalt  }
0x4e: {  	_ =	shalt  }
0x4f: {  	_ =	shalt  }
0x50: {  	_ =	shalt  }
0x51: {  	_ =	shalt  }
0x52: {  	_ =	shalt  }
0x53: {  	_ =	shalt  }
0x54: {  	_ =	shalt  }
0x55: {  	_ =	shalt  }
0x56: {  	_ =	shalt  }
0x57: {  	_ =	shalt  }
0x58: {  	_ =	shalt  }
0x59: {  	_ =	shalt  }
0x5a: {  	_ =	shalt  }
0x5b: {  	_ =	shalt  }
0x5c: {  	_ =	shalt  }
0x5d: {  	_ =	shalt  }
0x5e: {  	_ =	shalt  }
0x5f: {  	_ =	shalt  }
0x60: {  	_ =	shalt  }
0x61: {  	_ =	shalt  }
0x62: {  	_ =	shalt  }
0x63: {  	_ =	shalt  }
0x64: {  	_ =	shalt  }
0x65: {  	_ =	shalt  }
0x66: {  	_ =	shalt  }
0x67: {  	_ =	shalt  }
0x68: {  	_ =	shalt  }
0x69: {  	_ =	shalt  }
0x6a: {  	_ =	shalt  }
0x6b: {  	_ =	shalt  }
0x6c: {  	_ =	shalt  }
0x6d: {  	_ =	shalt  }
0x6e: {  	_ =	shalt  }
0x6f: {  	_ =	shalt  }
0x70: {  	_ =	shalt  }
0x71: {  	_ =	shalt  }
0x72: {  	_ =	shalt  }
0x73: {  	_ =	shalt  }
0x74: {  	_ =	shalt  }
0x75: {  	_ =	shalt  }
0x76: {  	_ =	shalt  }
0x77: {  	_ =	shalt  }
0x78: {  	_ =	shalt  }
0x79: {  	_ =	shalt  }
0x7a: {  	_ =	shalt  }
0x7b: {  	_ =	shalt  }
0x7c: {  	_ =	shalt  }
0x7d: {  	_ =	shalt  }
0x7e: {  	_ =	shalt  }
0x7f: {  	_ =	shalt  }
0x80: {  	_ =	shalt  }
0x81: {  	_ =	shalt  }
0x82: {  	_ =	shalt  }
0x83: {  	_ =	shalt  }
0x84: {  	_ =	shalt  }
0x85: {  	_ =	shalt  }
0x86: {  	_ =	shalt  }
0x87: {  	_ =	shalt  }
.Lfunc_end0:
.L_simem_size_0:
called_computation.1_lowered:
.L_overlay_start_0:
0x88: {  	s2 =	sld [smem:$0x3FD9]  }
0x89: {  	s3 =	sld [smem:$0x3FFE];
	_ =	sdelay $0x1  }
0x8a: {  	s1 =	srdreg.scid  }
0x8b: {  	s0 =	sand.u32 $0x1, s1  }
0x8c: {  	s17 =	sshll.u32 s0, $0xA;
	s2 =	sadd.s32 s3, s2  }
0x8d: {  	s2 =	sadd.s32 s2, s17  }
0x8e: {  	[smem:$0x3FC2] =	sst s2  }
0x8f: {  	_ = 	snop  }
0x90: {  	s2 =	sld [smem:$0x3FD0];
	(tm) =	ssettm $0x1  }
0x91: {  	s18 =	sld [smem:$0x3FFB];
	_ =	sdelay $0x3  }
0x92: {  	_ =	strace s18  }
0x93: {  	s3 =	sld [smem:$0x3FFC];
	_ =	sdelay $0x3  }
0x94: {  	_ =	strace s3  }
0x95: {  	s3 =	sld [smem:$0x3FFD];
	_ =	sdelay $0x3  }
0x96: {  	_ =	strace s3  }
0x97: {  	_ =	strace $0x8FFFFFFF  }
0x98: {  	s19 =	sld [smem:$0x3FDB];
	_ =	sdelay $0x1  }
0x99: {  	s4 =	simm.s32 $_scs_section_size  }
0x9a: {  	s5 =	simm.s32 $_size__tile_overlayer_lowered;
	s6 =	simm.s32 $_tile_overlayer_lowered  }
0x9b: {  	s22 =	simm.s32 $0x1BFF;
	s21 =	sshll.u32 s6, $0x1;
	s3 =	sadd.s32 s4, s19  }
0x9c: {  	s7 =	simm.s32 $0x0;
	s20 =	sshll.u32 s5, $0x1;
	s5 =	sadd.s32 s21, s3  }
0x9d: {  	[timem:s7], [sflag:s22] =	dma.local [hbm:s5], s20  }
0x9e: {  	_ =	swait.ge [sflag:s22], s20  }
0x9f: {  	s4 =	ssub.s32 $0x0, s20;
	[sflag:s22] =	ssyncset.done $0x0  }
0xa0: {  	[sflag:s22] =	ssyncadd.s32 s4;
	_ =	sdelay $0x1  }
0xa1: {  	s23 =	simm.s32 $0x1B8B  }
0xa2: {  	_ =	swait.ge [sflag:s23], $0x1  }
0xa3: {  	[sflag:s23] =	ssyncset.done $0x0  }
0xa4: {  	s25 =	simm.s32 $0x1B8E;
	s24 =	sld [smem:$0x3FFE];
	[sflag:s23] =	ssyncadd.s32 $0xFFFFFFFF  }
0xa5: {  	s26 =	simm.s32 $execute0_lowered;
	[smem:$0x3FD2] =	sst s25  }
0xa6: {  	s5 =	sshll.u32 s26, $0x1;
	_ =	strace $0x80000049;
	[dreg:$0x1] =	wrdreg $0xFFFFFFFF  }
0xa7: {  	s28 =	simm.s32 $_size_execute0_lowered;
	s3 =	sadd.s32 s3, s5;
	[dreg:$0x0] =	wrdreg $0x0  }
0xa8: {  	s5 =	sshll.u32 s28, $0x1;
	[dreg:$0x2] =	wrdreg s3  }
0xa9: {  	[dreg:$0x3] =	wrdreg s5  }
0xaa: {  	[dreg:$0x4] =	wrdreg $0xC0  }
0xab: {  	_ =	task [dreg:s7], $0x5FFFF  }
0xac: {  	[dreg:$0x1] =	wrdreg $0xFFFFFFFF  }
0xad: {  	[dreg:$0x0] =	wrdreg $0x60  }
0xae: {  	[dreg:$0x2] =	wrdreg s2  }
0xaf: {  	[dreg:$0x3] =	wrdreg s24  }
0xb0: {  	[dreg:$0x4] =	wrdreg $0x0  }
0xb1: {  	[dreg:$0x5] =	wrdreg $0x9  }
0xb2: {  	_ =	task.clear_ibuf [dreg:s7], $0x6FFFF;
	_ =	strace $0x90000049  }
0xb3: {  	s29 =	simm.s32 $0x9;
	_ =	strace $0x8000004B  }
0xb4: {  	_ =	swait.ge [sflag:s29], $0x1  }
0xb5: {  	[sflag:s29] =	ssyncadd.s32 $0xFFFFFFFF  }
0xb6: {  	_ =	strace $0x9000004B  }
0xb7: {  	_ =	sfence  }
0xb8: {  	s30 =	sld [smem:$0x0];
	_ =	sdelay $0x2  }
0xb9: {  	s31 =	sshll.u32 s1, $0xD;
	s1 =	sshrl.u32 s1, $0x2  }
0xba: {  	s3 =	sand.u32 $0x4000, s31;
	s1 =	sadd.s32 s1, s30  }
0xbb: {  	s0 =	sor.u32 s3, s0;
	s1 =	sshll.u32 s1, $0x11  }
0xbc: {  	s0 =	sor.u32 s1, s0  }
0xbd: {  	s0 =	sadd.s32 $0x8F2B, s0  }
0xbe: {  	[sflag:s0] =	ssyncadd.remote.s32 $0x1  }
0xbf: {  	_ =	sfence.sel $0xFFFF  }
0xc0: {  	[dreg:$0x0] =	wrdreg $0xFFFFFFFF;
	(pc) =	sbr.abs _section_cstart, $3  }
0xc1: {  	[dreg:$0x1] =	wrdreg $0xFFFFFFFF  }
0xc2: {  	_ =	task.clear_ibuf [dreg:s7], $0x2FFFF;
	_ =	strace $0x9FFFFFFF  }
0xc3: {  	(tm) =	ssettm $0x7FFFFFFF  }
tec
execute0_lowered:
.L_overlay_start_1:
0x0: {  	(tag) =	ssettag $0x1  }
0x1: {  	s1 =	rddreg [dreg:$0x0]  }
0x2: {  	s5 =	rddreg [dreg:$0x1]  }
0x3: {  	s2 =	rddreg [dreg:$0x2]  }
0x4: {  	s0 =	rddreg [dreg:$0x3];
	s4 =	simm.s32 $0x0;
	s6 =	srdreg.scid  }
0x5: {  	s3 =	stileid.u32;
	s17 =	simm.s32 $0x13D00;
	s18 =	simm.s32 $0x13C80  }
0x6: {  	s19 =	simm.s32 $0x0;
	[smem:$0x7FF] =	sst s4;
	s7 =	smul.u32 $0x4E000, s3  }
0x7: {  	s8 =	sand.u32 $0x1, s6;
	s9 =	sshll.u32 s3, $0x6;
	s11 =	smul.u32 $0x13800, s3  }
0x8: {  	s13 =	sadd.s32 $0x21400, s5;
	s16 =	sadd.s32 $0x138000, s2;
	p0 =	sne.s32 s3, $0xF  }
0x9: {  	_ =	strace $0x8000004A;
	s6 =	ssub.s32 $0x2, s8;
	s12 =	sadd.s32 s9, s5  }
0xa: {  	s14 =	smul.u32 $0x138800, s8;
	s29 =	sshll.u32 s8, $0x5;
	s10 =	sshrl.u32 s6, $0x1  }
0xb: {  	s25 =	sshrl.u32 s7, $0x2;
	s26 =	sshrl.u32 s11, $0x3;
	s7 =	sadd.s32 $0x27000, s1  }
0xc: {  	s10 =	ssub.s32 s6, s10;
	s15 =	sadd.s32 s25, s2;
	s5 =	sadd.s32 s1, s26  }
0xd: {  	s6 =	sor.u32 $0x1C01, s9;
	s28 =	sadd.s32 s11, s14;
	s31 =	sshrl.u32 s14, $0x3  }
0xe: {  	s11 =	sadd.s32 s29, s12;
	s14 =	sshrl.u32 @!p0 s16, $0x3;
	s16 =	simm.s32 $0x80  }
0xf: {  	s30 =	sshrl.u32 s28, $0x3;
	s9 =	sadd.s32 s13, s31;
	s10 =	smax.u32 s10, $0x1  }
0x10: {  	s11 =	sadd.s32 $0xD000, s11;
	s12 =	sshrl.u32 s15, $0x3;
	s15 =	simm.s32 $0x13C00  }
0x11: {  	s8 =	sadd.s32 s13, s30;
	s9 =	sadd.s32 $0x27000, s9;
	s13 =	simm.s32 $0x1  }
.LBB2_1:
0x12: {  	[spmem:s12], [sflag:s6] =	dma.local [hbm:s5], $0x2700  }
0x13: {  	_ =	swait.ge [sflag:s13], $0x2700  }
0x14: {  	[sflag:s13] =	ssyncset.done $0x0  }
0x15: {  	s20 =	simm.s32 @!p0 $0x1;
	[sflag:s13] =	ssyncadd.s32 $0xFFFFD900  }
0x16: {  	[spmem:s14], [sflag:s6] =	dma.local @!p0 [hbm:s7], $0x100  }
0x17: {  	_ =	swait.ge @!p0 [sflag:s20], $0x100  }
0x18: {  	[sflag:s20] =	ssyncset.done @!p0 $0x0  }
0x19: {  	[sflag:s20] =	ssyncadd.s32 @!p0 $0xFFFFFF00  }
0x1a: {  	s31 =	sadd.s32 $0x0, s11;
	[bflag:$0x0] =	sbarrier.arrive $0xFFFF  }
0x1b: {  	[tilespmem:s15], [sflag:$0x1] =	stream.linear.gather [hbm4b:s31+s4], $0x100, $0x38;
	[tilespmem:$0x17D00] =	vst v63  }
0x1c: {  	_ =	swait.ge [sflag:s13], $0x100  }
0x1d: {  	[sflag:s13] =	ssyncset.done $0x0  }
0x1e: {  	[sflag:s13] =	ssyncadd.s32 $0xFFFFFF00  }
0x1f: {  	[tilespmem:s17], [sflag:$0x1] =	stream.indirect.gather [hbm4b:s1+s16], $0x80, s15, s16, $0xb8;
	[tilespmem:$0x17D00] =	vst v63  }
0x20: {  	_ =	swait.ge [sflag:s13], $0x4000  }
0x21: {  	[sflag:s13] =	ssyncset.done $0x0  }
0x22: {  	[sflag:s13] =	ssyncadd.s32 $0xFFFFC000  }
0x23: {  	[spmem:s2] =	stream.indirect.scatter.add.f32 [tilespmem:s17], [sflag:$0x1], $0x80, s18, s16, $0xb8;
	[tilespmem:$0x17D00] =	vst v63  }
0x24: {  	_ =	swait.ge [sflag:s13], $0x4000  }
0x25: {  	s21 =	simm.s32 $0x800;
	s20 =	simm.s32 $0x400;
	[sflag:s13] =	ssyncset.done $0x0  }
.LBB2_2:
0x26: {  	s22 =	sadd.s32 s20, s11  }
0x27: {  	[sflag:s13] =	ssyncadd.s32 $0xFFFFC000;
	s20 =	smov.u32 s21;
	s23 =	sadd.s32 $0x400, s21  }
0x28: {  	[tilespmem:s15], [sflag:$0x1] =	stream.linear.gather [hbm4b:s22+s4], $0x100, $0x38;
	[tilespmem:$0x17D00] =	vst v63  }
0x29: {  	p1 =	sne.s32 s21, $0x13C00;
	_ =	swait.ge [sflag:s13], $0x100  }
0x2a: {  	[sflag:s13] =	ssyncset.done $0x0  }
0x2b: {  	[sflag:s13] =	ssyncadd.s32 $0xFFFFFF00  }
0x2c: {  	[tilespmem:s17], [sflag:$0x1] =	stream.indirect.gather [hbm4b:s1+s16], $0x80, s15, s16, $0xb8;
	[tilespmem:$0x17D00] =	vst v63  }
0x2d: {  	_ =	swait.ge [sflag:s13], $0x4000  }
.Ltmp0:
0x2e: {  	[sflag:s13] =	ssyncset.done $0x0;
	(pc) =	sbr.rel @p1 .LBB2_2-.Ltmp0, $4  }
0x2f: {  	[sflag:s13] =	ssyncadd.s32 $0xFFFFC000  }
0x30: {  	[spmem:s2] =	stream.indirect.scatter.add.f32 [tilespmem:s17], [sflag:$0x1], $0x80, s18, s16, $0xb8;
	[tilespmem:$0x17D00] =	vst v63  }
0x31: {  	_ =	swait.ge [sflag:s13], $0x4000  }
0x32: {  	s21 =	smov.u32 s23;
	[sflag:s13] =	ssyncset.done $0x0  }
0x33: {  	s20 =	sadd.s32 s20, s11;
	[sflag:s13] =	ssyncadd.s32 $0xFFFFC000  }
0x34: {  	[tilespmem:s15], [sflag:$0x1] =	stream.linear.gather [hbm4b:s20+s4], $0x100, $0x38;
	[tilespmem:$0x17D00] =	vst v63  }
0x35: {  	_ =	swait.ge [sflag:s13], $0x100  }
0x36: {  	[sflag:s13] =	ssyncset.done $0x0  }
0x37: {  	[sflag:s13] =	ssyncadd.s32 $0xFFFFFF00  }
0x38: {  	[tilespmem:s17], [sflag:$0x1] =	stream.indirect.gather [hbm4b:s1+s16], $0x80, s15, s16, $0xb8;
	[tilespmem:$0x17D00] =	vst v63  }
0x39: {  	_ =	swait.ge [sflag:s13], $0x4000  }
0x3a: {  	[sflag:s13] =	ssyncset.done $0x0  }
0x3b: {  	[sflag:s13] =	ssyncadd.s32 $0xFFFFC000  }
0x3c: {  	[spmem:s2] =	stream.indirect.scatter.add.f32 [tilespmem:s17], [sflag:$0x1], $0x80, s18, s16, $0xb8;
	[tilespmem:$0x17D00] =	vst v63  }
0x3d: {  	_ =	swait.ge [sflag:s13], $0x4000  }
0x3e: {  	[sflag:s13] =	ssyncset.done $0x0  }
0x3f: {  	[sflag:s13] =	ssyncadd.s32 $0xFFFFC000  }
0x40: {  	[bflag:$0x0] =	sbarrier.arrive $0xFFFF  }
0x41: {  	[hbm:s8], [sflag:s6] =	dma.local [spmem:s12], $0x2700  }
0x42: {  	s19 =	sadd.s32 $0x1, s19;
	_ =	swait.ge [sflag:s13], $0x2700  }
0x43: {  	p1 =	sne.s32 s19, s10;
	[sflag:s13] =	ssyncset.done $0x0  }
.Ltmp1:
0x44: {  	s20 =	simm.s32 @!p0 $0x1;
	[sflag:s13] =	ssyncadd.s32 $0xFFFFD900;
	(pc) =	sbr.rel @p1 .LBB2_1-.Ltmp1, $4  }
0x45: {  	[hbm:s9], [sflag:s6] =	dma.local @!p0 [spmem:s14], $0x100  }
0x46: {  	_ =	swait.ge @!p0 [sflag:s20], $0x100  }
0x47: {  	[sflag:s20] =	ssyncset.done @!p0 $0x0  }
0x48: {  	[sflag:s20] =	ssyncadd.s32 @!p0 $0xFFFFFF00  }
0x49: {  	_ =	sfence.sel $0x180000  }
0x4a: {  	[bflag:$0x0] =	sbarrier.arrive $0xFFFF  }
0x4b: {  	p0 =	sne.s32 s3, $0x0;
	_ =	strace $0x9000004A  }
0x4c: {  	s0 =	sadd.s32 @!p0 $0x100000, s0;
	[bflag:$0x2] =	sbarrier.arrive $0xFFFF  }
0x4d: {  	[sflag:s0] =	ssyncadd.tile.s32 @!p0 $0x1;
	_ =	shalt  }
.Lfunc_end2:
_tile_overlayer_lowered:
.L_overlay_start_2:
0x4e: {  	(tag) =	ssettag $0x2  }
0x4f: {  	s0 =	rddreg [dreg:$0x0];
	s2 =	stileid.u32  }
0x50: {  	s1 =	rddreg [dreg:$0x1];
	p0 =	sne.s32 s2, $0x0  }
0x51: {  	s3 =	rddreg [dreg:$0x2];
	[bflag:$0x3] =	sbarrier.arrive $0xFFFF;
	s2 =	simm.s32 @!p0 $0x1C01  }
0x52: {  	[timem:s3], [sflag:s2] =	dma.local @!p0 [hbm:s0], s1  }
0x53: {  	s0 =	simm.s32 @!p0 $0x1  }
0x54: {  	_ =	swait.ge @!p0 [sflag:s0], s1  }
0x55: {  	s1 =	ssub.s32 @!p0 $0x0, s1;
	[sflag:s0] =	ssyncset.done @!p0 $0x0  }
0x56: {  	[sflag:s0] =	ssyncadd.s32 @!p0 s1  }
0x57: {  	[bflag:$0x3] =	sbarrier.arrive $0xFFFF  }
0x58: {  	_ =	shalt  }

// kernel: kernel.14.cloned.1.call-start
scs
__scs_entry_jumppad:
0x0: {  	(pc) =	sbr.rel $0x88, $3  }
0x1: {  	(tag) =	ssettag $0x0;
	lr =	simm.s32 $0x1  }
0x2: {  	[smem:$0x3F9B] =	sst lr;
	_ =	strace $0xD0000000  }
0x3: {  	_ = 	snop  }
0x4: {  	_ = 	snop  }
0x5: {  	_ = 	snop  }
0x6: {  	_ = 	snop  }
0x7: {  	_ = 	snop  }
__scs_overlays_trampoline_lowered:
0x8: {  	[smem:$0x3FAA] =	sst s0  }
0x9: {  	[smem:$0x3FAB] =	sst s1  }
0xa: {  	[smem:$0x3FAC] =	sst s2  }
0xb: {  	[smem:$0x3FAD] =	sst s3  }
0xc: {  	[smem:$0x3FAE] =	sst s4  }
0xd: {  	[smem:$0x3FAF] =	sst s5  }
0xe: {  	[smem:$0x3FB0] =	sst s6  }
0xf: {  	[smem:$0x3FB1] =	sst s7  }
0x10: {  	[smem:$0x3FB2] =	sst s8  }
0x11: {  	[smem:$0x3FB3] =	sst s9;
	s0 =	simm.s32 @!p0 $0x0  }
0x12: {  	s1 =	sld [smem:$0x3F99];
	s0 =	simm.s32 @p0 $0x1  }
0x13: {  	[smem:$0x3FB4] =	sst s0;
	s0 =	simm.s32 @!p1 $0x0  }
0x14: {  	s2 =	sld [smem:$0x3F98];
	s0 =	simm.s32 @p1 $0x1  }
0x15: {  	[smem:$0x3FB5] =	sst s0;
	s0 =	simm.s32 @!p2 $0x0  }
0x16: {  	s3 =	sld [smem:$0x3FDB];
	s0 =	simm.s32 @p2 $0x1  }
0x17: {  	s4 =	simm.s32 $0x1BF5;
	[smem:$0x3FB7] =	sst s0  }
0x18: {  	s0 =	sld [smem:$0x3F9A];
	_ =	swait.ge [sflag:s4], $0x0  }
0x19: {  	s7 =	sld [smem:$0x3F9B]  }
0x1a: {  	s8 =	sadd.s32 $0xFFFFE003, lr  }
0x1b: {  	s9 =	sadd.s32 $0xFFFFFEF7, lr;
	s5 =	simm.s32 $0xFFFFFFFF;
	p2 =	slt.u32 s8, $0xFFFFF086  }
0x1c: {  	p1 =	slt.u32 s9, $0xF7A;
	s5 =	simm.s32 @!p2 $0x0  }
0x1d: {  	s5 =	simm.s32 @p1 $0x1;
	p0 =	seq.s32 s7, s2  }
0x1e: {  	s7 =	smul.u32 @!p0 $0xF7A, s2;
	p2 =	seq.s32 @!p0 s5, $0x0  }
0x1f: {  	s9 =	smul.u32 $0xF7A, s1;
	s8 =	simm.s32 @!p0 $0x1BF5;
	p2 =	por !p2, p0  }
0x20: {  	[sflag:s8] =	ssyncset.s32 @!p0 $0xFFFFF086;
	s6 =	sadd.s32 @!p0 s3, s7;
	s7 =	simm.s32 @!p0 $0x108  }
0x21: {  	s3 =	sadd.s32 s3, s9;
	s6 =	sadd.s32 @!p0 $0x88, s6;
	s7 =	simm.s32 @p2 $0x1082  }
0x22: {  	[simem:s7], [sflag:s8] =	dma.local @!p0 [hbm:s6], $0xF7A  }
0x23: {  	s9 =	sor.u32 $0xD0000000, s2;
	s6 =	simm.s32 $0x108;
	_ =	swait.ge @!p0 [sflag:s8], $0x0  }
0x24: {  	s3 =	sadd.s32 $0x88, s3;
	s6 =	simm.s32 @!p1 $0x1082;
	[sflag:s4] =	ssyncset.s32 $0xFFFFF086  }
0x25: {  	[simem:s6], [sflag:s4] =	dma.local [hbm:s3], $0xF7A  }
0x26: {  	[smem:$0x3F9B] =	sst s1;
	(tag) =	ssettag s2;
	_ =	strace s9  }
0x27: {  	s1 =	sld [smem:$0x3FAB]  }
0x28: {  	s2 =	sld [smem:$0x3FAC]  }
0x29: {  	s4 =	sld [smem:$0x3FAE]  }
0x2a: {  	p0 =	seq.s32 s5, $0x0;
	s5 =	sld [smem:$0x3FAF]  }
0x2b: {  	s6 =	sld [smem:$0x3FB0]  }
0x2c: {  	s7 =	sld [smem:$0x3FB1]  }
0x2d: {  	s3 =	simm.s32 $0x108;
	s8 =	sld [smem:$0x3FB2]  }
0x2e: {  	s3 =	simm.s32 @!p0 $0x1082;
	s9 =	sld [smem:$0x3FB3]  }
0x2f: {  	lr =	sadd.s32 s0, s3;
	s0 =	sld [smem:$0x3FAA]  }
0x30: {  	s3 =	sld [smem:$0x3FAD]  }
0x31: {  	[smem:$0x3FB6] =	sst s10  }
0x32: {  	s10 =	sld [smem:$0x3FB4];
	_ =	sdelay $0x3  }
0x33: {  	p0 =	seq.s32 s10, $0x1;
	s10 =	sld [smem:$0x3FB6];
	_ =	sdelay $0x3  }
0x34: {  	[smem:$0x3FB6] =	sst s10  }
0x35: {  	s10 =	sld [smem:$0x3FB5];
	_ =	sdelay $0x3  }
0x36: {  	p1 =	seq.s32 s10, $0x1;
	s10 =	sld [smem:$0x3FB6];
	_ =	sdelay $0x3  }
0x37: {  	[smem:$0x3FB6] =	sst s10  }
0x38: {  	s10 =	sld [smem:$0x3FB7]  }
0x39: {  	_ = 	snop;
	(pc) =	sbr.ind lr, $3  }
0x3a: {  	_ = 	snop  }
0x3b: {  	_ = 	snop  }
0x3c: {  	p2 =	seq.s32 s10, $0x1;
	s10 =	sld [smem:$0x3FB6]  }
0x3d: {  	_ =	shalt  }
0x3e: {  	_ =	shalt  }
0x3f: {  	_ =	shalt  }
0x40: {  	_ =	shalt  }
0x41: {  	_ =	shalt  }
0x42: {  	_ =	shalt  }
0x43: {  	_ =	shalt  }
0x44: {  	_ =	shalt  }
0x45: {  	_ =	shalt  }
0x46: {  	_ =	shalt  }
0x47: {  	_ =	shalt  }
0x48: {  	_ =	shalt  }
0x49: {  	_ =	shalt  }
0x4a: {  	_ =	shalt  }
0x4b: {  	_ =	shalt  }
0x4c: {  	_ =	shalt  }
0x4d: {  	_ =	shalt  }
0x4e: {  	_ =	shalt  }
0x4f: {  	_ =	shalt  }
0x50: {  	_ =	shalt  }
0x51: {  	_ =	shalt  }
0x52: {  	_ =	shalt  }
0x53: {  	_ =	shalt  }
0x54: {  	_ =	shalt  }
0x55: {  	_ =	shalt  }
0x56: {  	_ =	shalt  }
0x57: {  	_ =	shalt  }
0x58: {  	_ =	shalt  }
0x59: {  	_ =	shalt  }
0x5a: {  	_ =	shalt  }
0x5b: {  	_ =	shalt  }
0x5c: {  	_ =	shalt  }
0x5d: {  	_ =	shalt  }
0x5e: {  	_ =	shalt  }
0x5f: {  	_ =	shalt  }
0x60: {  	_ =	shalt  }
0x61: {  	_ =	shalt  }
0x62: {  	_ =	shalt  }
0x63: {  	_ =	shalt  }
0x64: {  	_ =	shalt  }
0x65: {  	_ =	shalt  }
0x66: {  	_ =	shalt  }
0x67: {  	_ =	shalt  }
0x68: {  	_ =	shalt  }
0x69: {  	_ =	shalt  }
0x6a: {  	_ =	shalt  }
0x6b: {  	_ =	shalt  }
0x6c: {  	_ =	shalt  }
0x6d: {  	_ =	shalt  }
0x6e: {  	_ =	shalt  }
0x6f: {  	_ =	shalt  }
0x70: {  	_ =	shalt  }
0x71: {  	_ =	shalt  }
0x72: {  	_ =	shalt  }
0x73: {  	_ =	shalt  }
0x74: {  	_ =	shalt  }
0x75: {  	_ =	shalt  }
0x76: {  	_ =	shalt  }
0x77: {  	_ =	shalt  }
0x78: {  	_ =	shalt  }
0x79: {  	_ =	shalt  }
0x7a: {  	_ =	shalt  }
0x7b: {  	_ =	shalt  }
0x7c: {  	_ =	shalt  }
0x7d: {  	_ =	shalt  }
0x7e: {  	_ =	shalt  }
0x7f: {  	_ =	shalt  }
0x80: {  	_ =	shalt  }
0x81: {  	_ =	shalt  }
0x82: {  	_ =	shalt  }
0x83: {  	_ =	shalt  }
0x84: {  	_ =	shalt  }
0x85: {  	_ =	shalt  }
0x86: {  	_ =	shalt  }
0x87: {  	_ =	shalt  }
.Lfunc_end0:
.L_simem_size_0:
called_computation.2_lowered:
.L_overlay_start_0:
0x88: {  	s2 =	sld [smem:$0x3FD9]  }
0x89: {  	s3 =	sld [smem:$0x3FFE];
	_ =	sdelay $0x1  }
0x8a: {  	s1 =	srdreg.scid  }
0x8b: {  	s0 =	sand.u32 $0x1, s1  }
0x8c: {  	s17 =	sshll.u32 s0, $0xA;
	s2 =	sadd.s32 s3, s2  }
0x8d: {  	s2 =	sadd.s32 s2, s17  }
0x8e: {  	[smem:$0x3FC2] =	sst s2  }
0x8f: {  	_ = 	snop  }
0x90: {  	s2 =	sld [smem:$0x3FD0];
	(tm) =	ssettm $0x1  }
0x91: {  	s18 =	sld [smem:$0x3FFB];
	_ =	sdelay $0x3  }
0x92: {  	_ =	strace s18  }
0x93: {  	s3 =	sld [smem:$0x3FFC];
	_ =	sdelay $0x3  }
0x94: {  	_ =	strace s3  }
0x95: {  	s3 =	sld [smem:$0x3FFD];
	_ =	sdelay $0x3  }
0x96: {  	_ =	strace s3  }
0x97: {  	_ =	strace $0x8FFFFFFF  }
0x98: {  	s19 =	sld [smem:$0x3FDB];
	_ =	sdelay $0x1  }
0x99: {  	s4 =	simm.s32 $_scs_section_size  }
0x9a: {  	s5 =	simm.s32 $_size__tile_overlayer_lowered;
	s6 =	simm.s32 $_tile_overlayer_lowered  }
0x9b: {  	s22 =	simm.s32 $0x1BFF;
	s21 =	sshll.u32 s6, $0x1;
	s3 =	sadd.s32 s4, s19  }
0x9c: {  	s7 =	simm.s32 $0x0;
	s20 =	sshll.u32 s5, $0x1;
	s5 =	sadd.s32 s21, s3  }
0x9d: {  	[timem:s7], [sflag:s22] =	dma.local [hbm:s5], s20  }
0x9e: {  	_ =	swait.ge [sflag:s22], s20  }
0x9f: {  	s4 =	ssub.s32 $0x0, s20;
	[sflag:s22] =	ssyncset.done $0x0  }
0xa0: {  	[sflag:s22] =	ssyncadd.s32 s4;
	_ =	sdelay $0x1  }
0xa1: {  	s23 =	simm.s32 $0x1B8B  }
0xa2: {  	_ =	swait.ge [sflag:s23], $0x1  }
0xa3: {  	[sflag:s23] =	ssyncset.done $0x0  }
0xa4: {  	s25 =	simm.s32 $0x1B8E;
	s24 =	sld [smem:$0x3FFE];
	[sflag:s23] =	ssyncadd.s32 $0xFFFFFFFF  }
0xa5: {  	s26 =	simm.s32 $execute0_lowered;
	[smem:$0x3FD2] =	sst s25  }
0xa6: {  	s5 =	sshll.u32 s26, $0x1;
	_ =	strace $0x8000004C;
	[dreg:$0x1] =	wrdreg $0xFFFFFFFF  }
0xa7: {  	s28 =	simm.s32 $_size_execute0_lowered;
	s3 =	sadd.s32 s3, s5;
	[dreg:$0x0] =	wrdreg $0x0  }
0xa8: {  	s5 =	sshll.u32 s28, $0x1;
	[dreg:$0x2] =	wrdreg s3  }
0xa9: {  	[dreg:$0x3] =	wrdreg s5  }
0xaa: {  	[dreg:$0x4] =	wrdreg $0xC0  }
0xab: {  	_ =	task [dreg:s7], $0x5FFFF  }
0xac: {  	[dreg:$0x1] =	wrdreg $0xFFFFFFFF  }
0xad: {  	[dreg:$0x0] =	wrdreg $0x60  }
0xae: {  	[dreg:$0x2] =	wrdreg s2  }
0xaf: {  	[dreg:$0x3] =	wrdreg s24  }
0xb0: {  	[dreg:$0x4] =	wrdreg $0x0  }
0xb1: {  	[dreg:$0x5] =	wrdreg $0x9  }
0xb2: {  	_ =	task.clear_ibuf [dreg:s7], $0x6FFFF;
	_ =	strace $0x9000004C  }
0xb3: {  	s29 =	simm.s32 $0x9;
	_ =	strace $0x8000004E  }
0xb4: {  	_ =	swait.ge [sflag:s29], $0x1  }
0xb5: {  	[sflag:s29] =	ssyncadd.s32 $0xFFFFFFFF  }
0xb6: {  	_ =	strace $0x9000004E  }
0xb7: {  	_ =	sfence  }
0xb8: {  	s30 =	sld [smem:$0x0];
	_ =	sdelay $0x2  }
0xb9: {  	s31 =	sshll.u32 s1, $0xD;
	s1 =	sshrl.u32 s1, $0x2  }
0xba: {  	s3 =	sand.u32 $0x4000, s31;
	s1 =	sadd.s32 s1, s30  }
0xbb: {  	s0 =	sor.u32 s3, s0;
	s1 =	sshll.u32 s1, $0x11  }
0xbc: {  	s0 =	sor.u32 s1, s0  }
0xbd: {  	s0 =	sadd.s32 $0x8F2B, s0  }
0xbe: {  	[sflag:s0] =	ssyncadd.remote.s32 $0x1  }
0xbf: {  	_ =	sfence.sel $0xFFFF  }
0xc0: {  	[dreg:$0x0] =	wrdreg $0xFFFFFFFF;
	(pc) =	sbr.abs _section_cstart, $3  }
0xc1: {  	[dreg:$0x1] =	wrdreg $0xFFFFFFFF  }
0xc2: {  	_ =	task.clear_ibuf [dreg:s7], $0x2FFFF;
	_ =	strace $0x9FFFFFFF  }
0xc3: {  	(tm) =	ssettm $0x7FFFFFFF  }
tec
execute0_lowered:
.L_overlay_start_1:
0x0: {  	(tag) =	ssettag $0x1  }
0x1: {  	s1 =	rddreg [dreg:$0x0]  }
0x2: {  	s5 =	rddreg [dreg:$0x1]  }
0x3: {  	s2 =	rddreg [dreg:$0x2]  }
0x4: {  	s0 =	rddreg [dreg:$0x3];
	s4 =	simm.s32 $0x0;
	s6 =	srdreg.scid  }
0x5: {  	s3 =	stileid.u32;
	s17 =	simm.s32 $0x13D00;
	s18 =	simm.s32 $0x13C80  }
0x6: {  	s19 =	simm.s32 $0x0;
	[smem:$0x7FF] =	sst s4;
	s7 =	smul.u32 $0x4E000, s3  }
0x7: {  	s8 =	sand.u32 $0x1, s6;
	s9 =	sshll.u32 s3, $0x6;
	s11 =	smul.u32 $0x13800, s3  }
0x8: {  	s13 =	sadd.s32 $0x21400, s5;
	s16 =	sadd.s32 $0x138000, s2;
	p0 =	sne.s32 s3, $0xF  }
0x9: {  	_ =	strace $0x8000004D;
	s6 =	ssub.s32 $0x2, s8;
	s12 =	sadd.s32 s9, s5  }
0xa: {  	s14 =	smul.u32 $0x138800, s8;
	s29 =	sshll.u32 s8, $0x5;
	s10 =	sshrl.u32 s6, $0x1  }
0xb: {  	s25 =	sshrl.u32 s7, $0x2;
	s26 =	sshrl.u32 s11, $0x3;
	s7 =	sadd.s32 $0x27000, s1  }
0xc: {  	s10 =	ssub.s32 s6, s10;
	s15 =	sadd.s32 s25, s2;
	s5 =	sadd.s32 s1, s26  }
0xd: {  	s6 =	sor.u32 $0x1C01, s9;
	s28 =	sadd.s32 s11, s14;
	s31 =	sshrl.u32 s14, $0x3  }
0xe: {  	s11 =	sadd.s32 s29, s12;
	s14 =	sshrl.u32 @!p0 s16, $0x3;
	s16 =	simm.s32 $0x80  }
0xf: {  	s30 =	sshrl.u32 s28, $0x3;
	s9 =	sadd.s32 s13, s31;
	s10 =	smax.u32 s10, $0x1  }
0x10: {  	s11 =	sadd.s32 $0xD000, s11;
	s12 =	sshrl.u32 s15, $0x3;
	s15 =	simm.s32 $0x13C00  }
0x11: {  	s8 =	sadd.s32 s13, s30;
	s9 =	sadd.s32 $0x27000, s9;
	s13 =	simm.s32 $0x1  }
.LBB2_1:
0x12: {  	[spmem:s12], [sflag:s6] =	dma.local [hbm:s5], $0x2700  }
0x13: {  	_ =	swait.ge [sflag:s13], $0x2700  }
0x14: {  	[sflag:s13] =	ssyncset.done $0x0  }
0x15: {  	s20 =	simm.s32 @!p0 $0x1;
	[sflag:s13] =	ssyncadd.s32 $0xFFFFD900  }
0x16: {  	[spmem:s14], [sflag:s6] =	dma.local @!p0 [hbm:s7], $0x100  }
0x17: {  	_ =	swait.ge @!p0 [sflag:s20], $0x100  }
0x18: {  	[sflag:s20] =	ssyncset.done @!p0 $0x0  }
0x19: {  	[sflag:s20] =	ssyncadd.s32 @!p0 $0xFFFFFF00  }
0x1a: {  	s31 =	sadd.s32 $0x0, s11;
	[bflag:$0x0] =	sbarrier.arrive $0xFFFF  }
0x1b: {  	[tilespmem:s15], [sflag:$0x1] =	stream.linear.gather [hbm4b:s31+s4], $0x100, $0x38;
	[tilespmem:$0x17D00] =	vst v63  }
0x1c: {  	_ =	swait.ge [sflag:s13], $0x100  }
0x1d: {  	[sflag:s13] =	ssyncset.done $0x0  }
0x1e: {  	[sflag:s13] =	ssyncadd.s32 $0xFFFFFF00  }
0x1f: {  	[tilespmem:s17], [sflag:$0x1] =	stream.indirect.gather [hbm4b:s1+s16], $0x80, s15, s16, $0xb8;
	[tilespmem:$0x17D00] =	vst v63  }
0x20: {  	_ =	swait.ge [sflag:s13], $0x4000  }
0x21: {  	[sflag:s13] =	ssyncset.done $0x0  }
0x22: {  	[sflag:s13] =	ssyncadd.s32 $0xFFFFC000  }
0x23: {  	[spmem:s2] =	stream.indirect.scatter.add.f32 [tilespmem:s17], [sflag:$0x1], $0x80, s18, s16, $0xb8;
	[tilespmem:$0x17D00] =	vst v63  }
0x24: {  	_ =	swait.ge [sflag:s13], $0x4000  }
0x25: {  	s21 =	simm.s32 $0x800;
	s20 =	simm.s32 $0x400;
	[sflag:s13] =	ssyncset.done $0x0  }
.LBB2_2:
0x26: {  	s22 =	sadd.s32 s20, s11  }
0x27: {  	[sflag:s13] =	ssyncadd.s32 $0xFFFFC000;
	s20 =	smov.u32 s21;
	s23 =	sadd.s32 $0x400, s21  }
0x28: {  	[tilespmem:s15], [sflag:$0x1] =	stream.linear.gather [hbm4b:s22+s4], $0x100, $0x38;
	[tilespmem:$0x17D00] =	vst v63  }
0x29: {  	p1 =	sne.s32 s21, $0x13C00;
	_ =	swait.ge [sflag:s13], $0x100  }
0x2a: {  	[sflag:s13] =	ssyncset.done $0x0  }
0x2b: {  	[sflag:s13] =	ssyncadd.s32 $0xFFFFFF00  }
0x2c: {  	[tilespmem:s17], [sflag:$0x1] =	stream.indirect.gather [hbm4b:s1+s16], $0x80, s15, s16, $0xb8;
	[tilespmem:$0x17D00] =	vst v63  }
0x2d: {  	_ =	swait.ge [sflag:s13], $0x4000  }
.Ltmp0:
0x2e: {  	[sflag:s13] =	ssyncset.done $0x0;
	(pc) =	sbr.rel @p1 .LBB2_2-.Ltmp0, $4  }
0x2f: {  	[sflag:s13] =	ssyncadd.s32 $0xFFFFC000  }
0x30: {  	[spmem:s2] =	stream.indirect.scatter.add.f32 [tilespmem:s17], [sflag:$0x1], $0x80, s18, s16, $0xb8;
	[tilespmem:$0x17D00] =	vst v63  }
0x31: {  	_ =	swait.ge [sflag:s13], $0x4000  }
0x32: {  	s21 =	smov.u32 s23;
	[sflag:s13] =	ssyncset.done $0x0  }
0x33: {  	s20 =	sadd.s32 s20, s11;
	[sflag:s13] =	ssyncadd.s32 $0xFFFFC000  }
0x34: {  	[tilespmem:s15], [sflag:$0x1] =	stream.linear.gather [hbm4b:s20+s4], $0x100, $0x38;
	[tilespmem:$0x17D00] =	vst v63  }
0x35: {  	_ =	swait.ge [sflag:s13], $0x100  }
0x36: {  	[sflag:s13] =	ssyncset.done $0x0  }
0x37: {  	[sflag:s13] =	ssyncadd.s32 $0xFFFFFF00  }
0x38: {  	[tilespmem:s17], [sflag:$0x1] =	stream.indirect.gather [hbm4b:s1+s16], $0x80, s15, s16, $0xb8;
	[tilespmem:$0x17D00] =	vst v63  }
0x39: {  	_ =	swait.ge [sflag:s13], $0x4000  }
0x3a: {  	[sflag:s13] =	ssyncset.done $0x0  }
0x3b: {  	[sflag:s13] =	ssyncadd.s32 $0xFFFFC000  }
0x3c: {  	[spmem:s2] =	stream.indirect.scatter.add.f32 [tilespmem:s17], [sflag:$0x1], $0x80, s18, s16, $0xb8;
	[tilespmem:$0x17D00] =	vst v63  }
0x3d: {  	_ =	swait.ge [sflag:s13], $0x4000  }
0x3e: {  	[sflag:s13] =	ssyncset.done $0x0  }
0x3f: {  	[sflag:s13] =	ssyncadd.s32 $0xFFFFC000  }
0x40: {  	[bflag:$0x0] =	sbarrier.arrive $0xFFFF  }
0x41: {  	[hbm:s8], [sflag:s6] =	dma.local [spmem:s12], $0x2700  }
0x42: {  	s19 =	sadd.s32 $0x1, s19;
	_ =	swait.ge [sflag:s13], $0x2700  }
0x43: {  	p1 =	sne.s32 s19, s10;
	[sflag:s13] =	ssyncset.done $0x0  }
.Ltmp1:
0x44: {  	s20 =	simm.s32 @!p0 $0x1;
	[sflag:s13] =	ssyncadd.s32 $0xFFFFD900;
	(pc) =	sbr.rel @p1 .LBB2_1-.Ltmp1, $4  }
0x45: {  	[hbm:s9], [sflag:s6] =	dma.local @!p0 [spmem:s14], $0x100  }
0x46: {  	_ =	swait.ge @!p0 [sflag:s20], $0x100  }
0x47: {  	[sflag:s20] =	ssyncset.done @!p0 $0x0  }
0x48: {  	[sflag:s20] =	ssyncadd.s32 @!p0 $0xFFFFFF00  }
0x49: {  	_ =	sfence.sel $0x180000  }
0x4a: {  	[bflag:$0x0] =	sbarrier.arrive $0xFFFF  }
0x4b: {  	p0 =	sne.s32 s3, $0x0;
	_ =	strace $0x9000004D  }
0x4c: {  	s0 =	sadd.s32 @!p0 $0x100000, s0;
	[bflag:$0x2] =	sbarrier.arrive $0xFFFF  }
0x4d: {  	[sflag:s0] =	ssyncadd.tile.s32 @!p0 $0x1;
	_ =	shalt  }
.Lfunc_end2:
_tile_overlayer_lowered:
.L_overlay_start_2:
0x4e: {  	(tag) =	ssettag $0x2  }
0x4f: {  	s0 =	rddreg [dreg:$0x0];
	s2 =	stileid.u32  }
0x50: {  	s1 =	rddreg [dreg:$0x1];
	p0 =	sne.s32 s2, $0x0  }
0x51: {  	s3 =	rddreg [dreg:$0x2];
	[bflag:$0x3] =	sbarrier.arrive $0xFFFF;
	s2 =	simm.s32 @!p0 $0x1C01  }
0x52: {  	[timem:s3], [sflag:s2] =	dma.local @!p0 [hbm:s0], s1  }
0x53: {  	s0 =	simm.s32 @!p0 $0x1  }
0x54: {  	_ =	swait.ge @!p0 [sflag:s0], s1  }
0x55: {  	s1 =	ssub.s32 @!p0 $0x0, s1;
	[sflag:s0] =	ssyncset.done @!p0 $0x0  }
0x56: {  	[sflag:s0] =	ssyncadd.s32 @!p0 s1  }
0x57: {  	[bflag:$0x3] =	sbarrier.arrive $0xFFFF  }
0x58: {  	_ =	shalt  }

// kernel: kernel.8.cloned.1.call-start
scs
__scs_entry_jumppad:
0x0: {  	(pc) =	sbr.rel $0x88, $3  }
0x1: {  	(tag) =	ssettag $0x0;
	lr =	simm.s32 $0x1  }
0x2: {  	[smem:$0x3F9B] =	sst lr;
	_ =	strace $0xD0000000  }
0x3: {  	_ = 	snop  }
0x4: {  	_ = 	snop  }
0x5: {  	_ = 	snop  }
0x6: {  	_ = 	snop  }
0x7: {  	_ = 	snop  }
__scs_overlays_trampoline_lowered:
0x8: {  	[smem:$0x3FAA] =	sst s0  }
0x9: {  	[smem:$0x3FAB] =	sst s1  }
0xa: {  	[smem:$0x3FAC] =	sst s2  }
0xb: {  	[smem:$0x3FAD] =	sst s3  }
0xc: {  	[smem:$0x3FAE] =	sst s4  }
0xd: {  	[smem:$0x3FAF] =	sst s5  }
0xe: {  	[smem:$0x3FB0] =	sst s6  }
0xf: {  	[smem:$0x3FB1] =	sst s7  }
0x10: {  	[smem:$0x3FB2] =	sst s8  }
0x11: {  	[smem:$0x3FB3] =	sst s9;
	s0 =	simm.s32 @!p0 $0x0  }
0x12: {  	s1 =	sld [smem:$0x3F99];
	s0 =	simm.s32 @p0 $0x1  }
0x13: {  	[smem:$0x3FB4] =	sst s0;
	s0 =	simm.s32 @!p1 $0x0  }
0x14: {  	s2 =	sld [smem:$0x3F98];
	s0 =	simm.s32 @p1 $0x1  }
0x15: {  	[smem:$0x3FB5] =	sst s0;
	s0 =	simm.s32 @!p2 $0x0  }
0x16: {  	s3 =	sld [smem:$0x3FDB];
	s0 =	simm.s32 @p2 $0x1  }
0x17: {  	s4 =	simm.s32 $0x1BF5;
	[smem:$0x3FB7] =	sst s0  }
0x18: {  	s0 =	sld [smem:$0x3F9A];
	_ =	swait.ge [sflag:s4], $0x0  }
0x19: {  	s7 =	sld [smem:$0x3F9B]  }
0x1a: {  	s8 =	sadd.s32 $0xFFFFE003, lr  }
0x1b: {  	s9 =	sadd.s32 $0xFFFFFEF7, lr;
	s5 =	simm.s32 $0xFFFFFFFF;
	p2 =	slt.u32 s8, $0xFFFFF086  }
0x1c: {  	p1 =	slt.u32 s9, $0xF7A;
	s5 =	simm.s32 @!p2 $0x0  }
0x1d: {  	s5 =	simm.s32 @p1 $0x1;
	p0 =	seq.s32 s7, s2  }
0x1e: {  	s7 =	smul.u32 @!p0 $0xF7A, s2;
	p2 =	seq.s32 @!p0 s5, $0x0  }
0x1f: {  	s9 =	smul.u32 $0xF7A, s1;
	s8 =	simm.s32 @!p0 $0x1BF5;
	p2 =	por !p2, p0  }
0x20: {  	[sflag:s8] =	ssyncset.s32 @!p0 $0xFFFFF086;
	s6 =	sadd.s32 @!p0 s3, s7;
	s7 =	simm.s32 @!p0 $0x108  }
0x21: {  	s3 =	sadd.s32 s3, s9;
	s6 =	sadd.s32 @!p0 $0x88, s6;
	s7 =	simm.s32 @p2 $0x1082  }
0x22: {  	[simem:s7], [sflag:s8] =	dma.local @!p0 [hbm:s6], $0xF7A  }
0x23: {  	s9 =	sor.u32 $0xD0000000, s2;
	s6 =	simm.s32 $0x108;
	_ =	swait.ge @!p0 [sflag:s8], $0x0  }
0x24: {  	s3 =	sadd.s32 $0x88, s3;
	s6 =	simm.s32 @!p1 $0x1082;
	[sflag:s4] =	ssyncset.s32 $0xFFFFF086  }
0x25: {  	[simem:s6], [sflag:s4] =	dma.local [hbm:s3], $0xF7A  }
0x26: {  	[smem:$0x3F9B] =	sst s1;
	(tag) =	ssettag s2;
	_ =	strace s9  }
0x27: {  	s1 =	sld [smem:$0x3FAB]  }
0x28: {  	s2 =	sld [smem:$0x3FAC]  }
0x29: {  	s4 =	sld [smem:$0x3FAE]  }
0x2a: {  	p0 =	seq.s32 s5, $0x0;
	s5 =	sld [smem:$0x3FAF]  }
0x2b: {  	s6 =	sld [smem:$0x3FB0]  }
0x2c: {  	s7 =	sld [smem:$0x3FB1]  }
0x2d: {  	s3 =	simm.s32 $0x108;
	s8 =	sld [smem:$0x3FB2]  }
0x2e: {  	s3 =	simm.s32 @!p0 $0x1082;
	s9 =	sld [smem:$0x3FB3]  }
0x2f: {  	lr =	sadd.s32 s0, s3;
	s0 =	sld [smem:$0x3FAA]  }
0x30: {  	s3 =	sld [smem:$0x3FAD]  }
0x31: {  	[smem:$0x3FB6] =	sst s10  }
0x32: {  	s10 =	sld [smem:$0x3FB4];
	_ =	sdelay $0x3  }
0x33: {  	p0 =	seq.s32 s10, $0x1;
	s10 =	sld [smem:$0x3FB6];
	_ =	sdelay $0x3  }
0x34: {  	[smem:$0x3FB6] =	sst s10  }
0x35: {  	s10 =	sld [smem:$0x3FB5];
	_ =	sdelay $0x3  }
0x36: {  	p1 =	seq.s32 s10, $0x1;
	s10 =	sld [smem:$0x3FB6];
	_ =	sdelay $0x3  }
0x37: {  	[smem:$0x3FB6] =	sst s10  }
0x38: {  	s10 =	sld [smem:$0x3FB7]  }
0x39: {  	_ = 	snop;
	(pc) =	sbr.ind lr, $3  }
0x3a: {  	_ = 	snop  }
0x3b: {  	_ = 	snop  }
0x3c: {  	p2 =	seq.s32 s10, $0x1;
	s10 =	sld [smem:$0x3FB6]  }
0x3d: {  	_ =	shalt  }
0x3e: {  	_ =	shalt  }
0x3f: {  	_ =	shalt  }
0x40: {  	_ =	shalt  }
0x41: {  	_ =	shalt  }
0x42: {  	_ =	shalt  }
0x43: {  	_ =	shalt  }
0x44: {  	_ =	shalt  }
0x45: {  	_ =	shalt  }
0x46: {  	_ =	shalt  }
0x47: {  	_ =	shalt  }
0x48: {  	_ =	shalt  }
0x49: {  	_ =	shalt  }
0x4a: {  	_ =	shalt  }
0x4b: {  	_ =	shalt  }
0x4c: {  	_ =	shalt  }
0x4d: {  	_ =	shalt  }
0x4e: {  	_ =	shalt  }
0x4f: {  	_ =	shalt  }
0x50: {  	_ =	shalt  }
0x51: {  	_ =	shalt  }
0x52: {  	_ =	shalt  }
0x53: {  	_ =	shalt  }
0x54: {  	_ =	shalt  }
0x55: {  	_ =	shalt  }
0x56: {  	_ =	shalt  }
0x57: {  	_ =	shalt  }
0x58: {  	_ =	shalt  }
0x59: {  	_ =	shalt  }
0x5a: {  	_ =	shalt  }
0x5b: {  	_ =	shalt  }
0x5c: {  	_ =	shalt  }
0x5d: {  	_ =	shalt  }
0x5e: {  	_ =	shalt  }
0x5f: {  	_ =	shalt  }
0x60: {  	_ =	shalt  }
0x61: {  	_ =	shalt  }
0x62: {  	_ =	shalt  }
0x63: {  	_ =	shalt  }
0x64: {  	_ =	shalt  }
0x65: {  	_ =	shalt  }
0x66: {  	_ =	shalt  }
0x67: {  	_ =	shalt  }
0x68: {  	_ =	shalt  }
0x69: {  	_ =	shalt  }
0x6a: {  	_ =	shalt  }
0x6b: {  	_ =	shalt  }
0x6c: {  	_ =	shalt  }
0x6d: {  	_ =	shalt  }
0x6e: {  	_ =	shalt  }
0x6f: {  	_ =	shalt  }
0x70: {  	_ =	shalt  }
0x71: {  	_ =	shalt  }
0x72: {  	_ =	shalt  }
0x73: {  	_ =	shalt  }
0x74: {  	_ =	shalt  }
0x75: {  	_ =	shalt  }
0x76: {  	_ =	shalt  }
0x77: {  	_ =	shalt  }
0x78: {  	_ =	shalt  }
0x79: {  	_ =	shalt  }
0x7a: {  	_ =	shalt  }
0x7b: {  	_ =	shalt  }
0x7c: {  	_ =	shalt  }
0x7d: {  	_ =	shalt  }
0x7e: {  	_ =	shalt  }
0x7f: {  	_ =	shalt  }
0x80: {  	_ =	shalt  }
0x81: {  	_ =	shalt  }
0x82: {  	_ =	shalt  }
0x83: {  	_ =	shalt  }
0x84: {  	_ =	shalt  }
0x85: {  	_ =	shalt  }
0x86: {  	_ =	shalt  }
0x87: {  	_ =	shalt  }
.Lfunc_end0:
.L_simem_size_0:
called_computation_lowered:
.L_overlay_start_0:
0x88: {  	s2 =	sld [smem:$0x3FD9]  }
0x89: {  	s3 =	sld [smem:$0x3FFE];
	_ =	sdelay $0x1  }
0x8a: {  	s1 =	srdreg.scid  }
0x8b: {  	s0 =	sand.u32 $0x1, s1  }
0x8c: {  	s17 =	sshll.u32 s0, $0xA;
	s2 =	sadd.s32 s3, s2  }
0x8d: {  	s2 =	sadd.s32 s2, s17  }
0x8e: {  	[smem:$0x3FC2] =	sst s2  }
0x8f: {  	_ = 	snop  }
0x90: {  	s2 =	sld [smem:$0x3FD0];
	(tm) =	ssettm $0x1  }
0x91: {  	s18 =	sld [smem:$0x3FFB];
	_ =	sdelay $0x3  }
0x92: {  	_ =	strace s18  }
0x93: {  	s3 =	sld [smem:$0x3FFC];
	_ =	sdelay $0x3  }
0x94: {  	_ =	strace s3  }
0x95: {  	s3 =	sld [smem:$0x3FFD];
	_ =	sdelay $0x3  }
0x96: {  	_ =	strace s3  }
0x97: {  	_ =	strace $0x8FFFFFFF  }
0x98: {  	s19 =	sld [smem:$0x3FDB];
	_ =	sdelay $0x1  }
0x99: {  	s4 =	simm.s32 $_scs_section_size  }
0x9a: {  	s5 =	simm.s32 $_size__tile_overlayer_lowered;
	s6 =	simm.s32 $_tile_overlayer_lowered  }
0x9b: {  	s22 =	simm.s32 $0x1BFF;
	s21 =	sshll.u32 s6, $0x1;
	s3 =	sadd.s32 s4, s19  }
0x9c: {  	s7 =	simm.s32 $0x0;
	s20 =	sshll.u32 s5, $0x1;
	s5 =	sadd.s32 s21, s3  }
0x9d: {  	[timem:s7], [sflag:s22] =	dma.local [hbm:s5], s20  }
0x9e: {  	_ =	swait.ge [sflag:s22], s20  }
0x9f: {  	s4 =	ssub.s32 $0x0, s20;
	[sflag:s22] =	ssyncset.done $0x0  }
0xa0: {  	[sflag:s22] =	ssyncadd.s32 s4;
	_ =	sdelay $0x1  }
0xa1: {  	s23 =	simm.s32 $0x1B8B  }
0xa2: {  	_ =	swait.ge [sflag:s23], $0x1  }
0xa3: {  	[sflag:s23] =	ssyncset.done $0x0  }
0xa4: {  	s25 =	simm.s32 $0x1B8E;
	s24 =	sld [smem:$0x3FFE];
	[sflag:s23] =	ssyncadd.s32 $0xFFFFFFFF  }
0xa5: {  	s26 =	simm.s32 $execute0_lowered;
	[smem:$0x3FD2] =	sst s25  }
0xa6: {  	s5 =	sshll.u32 s26, $0x1;
	_ =	strace $0x80000046;
	[dreg:$0x1] =	wrdreg $0xFFFFFFFF  }
0xa7: {  	s28 =	simm.s32 $_size_execute0_lowered;
	s3 =	sadd.s32 s3, s5;
	[dreg:$0x0] =	wrdreg $0x0  }
0xa8: {  	s5 =	sshll.u32 s28, $0x1;
	[dreg:$0x2] =	wrdreg s3  }
0xa9: {  	[dreg:$0x3] =	wrdreg s5  }
0xaa: {  	[dreg:$0x4] =	wrdreg $0xC0  }
0xab: {  	_ =	task [dreg:s7], $0x5FFFF  }
0xac: {  	[dreg:$0x1] =	wrdreg $0xFFFFFFFF  }
0xad: {  	[dreg:$0x0] =	wrdreg $0x60  }
0xae: {  	[dreg:$0x2] =	wrdreg s2  }
0xaf: {  	[dreg:$0x3] =	wrdreg s24  }
0xb0: {  	[dreg:$0x4] =	wrdreg $0x9  }
0xb1: {  	_ =	task.clear_ibuf [dreg:s7], $0x5FFFF;
	_ =	strace $0x90000046  }
0xb2: {  	s29 =	simm.s32 $0x9;
	_ =	strace $0x80000048  }
0xb3: {  	_ =	swait.ge [sflag:s29], $0x1  }
0xb4: {  	[sflag:s29] =	ssyncadd.s32 $0xFFFFFFFF  }
0xb5: {  	_ =	strace $0x90000048  }
0xb6: {  	_ =	sfence  }
0xb7: {  	s30 =	sld [smem:$0x0];
	_ =	sdelay $0x2  }
0xb8: {  	s31 =	sshll.u32 s1, $0xD;
	s1 =	sshrl.u32 s1, $0x2  }
0xb9: {  	s3 =	sand.u32 $0x4000, s31;
	s1 =	sadd.s32 s1, s30  }
0xba: {  	s0 =	sor.u32 s3, s0;
	s1 =	sshll.u32 s1, $0x11  }
0xbb: {  	s0 =	sor.u32 s1, s0  }
0xbc: {  	s0 =	sadd.s32 $0x8F2B, s0  }
0xbd: {  	[sflag:s0] =	ssyncadd.remote.s32 $0x1  }
0xbe: {  	_ =	sfence.sel $0xFFFF  }
0xbf: {  	[dreg:$0x0] =	wrdreg $0xFFFFFFFF;
	(pc) =	sbr.abs _section_cstart, $3  }
0xc0: {  	[dreg:$0x1] =	wrdreg $0xFFFFFFFF  }
0xc1: {  	_ =	task.clear_ibuf [dreg:s7], $0x2FFFF;
	_ =	strace $0x9FFFFFFF  }
0xc2: {  	(tm) =	ssettm $0x7FFFFFFF  }
0xc3: {  	_ =	shalt  }
tec
execute0_lowered:
.L_overlay_start_1:
0x0: {  	(tag) =	ssettag $0x1  }
0x1: {  	s1 =	srdreg.scid  }
0x2: {  	s6 =	rddreg [dreg:$0x0];
	s0 =	stileid.u32  }
0x3: {  	s4 =	rddreg [dreg:$0x1];
	s9 =	simm.s32 $0x80;
	s10 =	simm.s32 $0x400  }
0x4: {  	s11 =	simm.s32 $0x0;
	s7 =	sand.u32 $0x1, s1;
	s29 =	sshrl.u32 s0, $0x2  }
0x5: {  	s2 =	sshll.u32 s0, $0x8;
	s1 =	rddreg [dreg:$0x2];
	s31 =	sshll.u32 s0, $0x5  }
0x6: {  	s3 =	sshll.u32 s7, $0x7;
	s5 =	smul.u32 $0x14000, s29;
	s8 =	ssub.s32 $0x2, s7  }
0x7: {  	s6 =	sadd.s32 s31, s6;
	s7 =	sshll.u32 s7, $0x4;
	s3 =	sor.u32 s3, s2  }
0x8: {  	s2 =	simm.s32 $0x0;
	s30 =	sshrl.u32 s8, $0x1;
	s3 =	sand.u32 $0x380, s3  }
0x9: {  	s6 =	sadd.s32 s7, s6;
	[smem:$0x7FF] =	sst s2;
	s3 =	sor.u32 s5, s3  }
0xa: {  	s7 =	simm.s32 $0x1;
	_ =	strace $0x80000047;
	s5 =	sshrl.u32 s3, $0x3  }
0xb: {  	s3 =	sadd.s32 $0x2A00, s4;
	s4 =	sadd.s32 s5, s4;
	s5 =	ssub.s32 s8, s30  }
0xc: {  	v0 =	vimm.f32 $1.000000000e+00;
	s8 =	simm.s32 $0x2800;
	s4 =	sadd.s32 $0x3000, s4;
	s5 =	smax.u32 s5, $0x1  }
.LBB2_1:
0xd: {  	[tilespmem:s2], [sflag:$0x1] =	stream.linear.gather [hbm4b:s3+s2], $0x2800, $0x38;
	[tilespmem:$0x2880] =	vst v63  }
0xe: {  	_ =	swait.ge [sflag:s7], $0x2800  }
0xf: {  	[sflag:s7] =	ssyncset.done $0x0  }
0x10: {  	s12 =	simm.s32 $0x0;
	[sflag:s7] =	ssyncadd.s32 $0xFFFFD800  }
.LBB2_2:
0x11: {  	s13 =	sadd.s32 s12, s6  }
0x12: {  	[tilespmem:s8], [sflag:$0x1] =	stream.linear.gather [hbm4b:s13+s2], $0x80, $0x38;
	[tilespmem:$0x2880] =	vst v63  }
0x13: {  	_ =	swait.ge [sflag:s7], $0x80  }
0x14: {  	[sflag:s7] =	ssyncset.done $0x0  }
0x15: {  	[sflag:s7] =	ssyncadd.s32 $0xFFFFFF80  }
0x16: {  	v1 =	vld [tilespmem:$0x2800];
	_ =	sdelay $0x7  }
0x17: {  	[tilespmem:v1+s2+$0x0] =	vst.idx.add.f32.msk $0xffff, v0  }
0x18: {  	v1 =	vld [tilespmem:$0x2810];
	_ =	sdelay $0x7  }
0x19: {  	[tilespmem:v1+s2+$0x0] =	vst.idx.add.f32.msk $0xffff, v0  }
0x1a: {  	v1 =	vld [tilespmem:$0x2820];
	_ =	sdelay $0x7  }
0x1b: {  	[tilespmem:v1+s2+$0x0] =	vst.idx.add.f32.msk $0xffff, v0  }
0x1c: {  	v1 =	vld [tilespmem:$0x2830];
	_ =	sdelay $0x7  }
0x1d: {  	[tilespmem:v1+s2+$0x0] =	vst.idx.add.f32.msk $0xffff, v0  }
0x1e: {  	v1 =	vld [tilespmem:$0x2840];
	_ =	sdelay $0x7  }
0x1f: {  	[tilespmem:v1+s2+$0x0] =	vst.idx.add.f32.msk $0xffff, v0  }
0x20: {  	v1 =	vld [tilespmem:$0x2850];
	_ =	sdelay $0x7  }
0x21: {  	[tilespmem:v1+s2+$0x0] =	vst.idx.add.f32.msk $0xffff, v0  }
0x22: {  	v1 =	vld [tilespmem:$0x2860];
	_ =	sdelay $0x7  }
0x23: {  	[tilespmem:v1+s2+$0x0] =	vst.idx.add.f32.msk $0xffff, v0  }
0x24: {  	v1 =	vld [tilespmem:$0x2870];
	_ =	sdelay $0x2  }
0x25: {  	p0 =	sne.s32 s12, $0x9E00  }
.Ltmp0:
0x26: {  	_ = 	snop;
	(pc) =	sbr.rel @p0 .LBB2_2-.Ltmp0, $2  }
0x27: {  	_ =	sdelay $0x2  }
0x28: {  	s12 =	sadd.s32 $0x200, s12;
	[tilespmem:v1+s2+$0x0] =	vst.idx.add.f32.msk $0xffff, v0  }
0x29: {  	s11 =	sadd.s32 $0x1, s11  }
0x2a: {  	p0 =	sne.s32 s11, s5  }
.Ltmp1:
0x2b: {  	_ = 	snop;
	(pc) =	sbr.rel @p0 .LBB2_1-.Ltmp1, $4  }
0x2c: {  	[hbm4b:s4+s9] =	stream.strided.scatter [tilespmem:s2], [sflag:$0x1], $0x2800, s10, s9, $0x38;
	[tilespmem:$0x2880] =	vst v63  }
0x2d: {  	_ =	swait.ge [sflag:s7], $0x2800  }
0x2e: {  	[sflag:s7] =	ssyncset.done $0x0  }
0x2f: {  	[sflag:s7] =	ssyncadd.s32 $0xFFFFD800  }
0x30: {  	_ =	sfence.sel $0x180000  }
0x31: {  	[bflag:$0x0] =	sbarrier.arrive $0xFFFF  }
0x32: {  	p0 =	sne.s32 s0, $0x0;
	_ =	strace $0x90000047  }
0x33: {  	s0 =	sadd.s32 @!p0 $0x100000, s1;
	[bflag:$0x2] =	sbarrier.arrive $0xFFFF  }
0x34: {  	[sflag:s0] =	ssyncadd.tile.s32 @!p0 $0x1;
	_ =	shalt  }
.Lfunc_end2:
_tile_overlayer_lowered:
.L_overlay_start_2:
0x35: {  	(tag) =	ssettag $0x2  }
0x36: {  	s0 =	rddreg [dreg:$0x0];
	s2 =	stileid.u32  }
0x37: {  	s1 =	rddreg [dreg:$0x1];
	p0 =	sne.s32 s2, $0x0  }
0x38: {  	s3 =	rddreg [dreg:$0x2];
	[bflag:$0x3] =	sbarrier.arrive $0xFFFF;
	s2 =	simm.s32 @!p0 $0x1C01  }
0x39: {  	[timem:s3], [sflag:s2] =	dma.local @!p0 [hbm:s0], s1  }
0x3a: {  	s0 =	simm.s32 @!p0 $0x1  }
0x3b: {  	_ =	swait.ge @!p0 [sflag:s0], s1  }
0x3c: {  	s1 =	ssub.s32 @!p0 $0x0, s1;
	[sflag:s0] =	ssyncset.done @!p0 $0x0  }
0x3d: {  	[sflag:s0] =	ssyncadd.s32 @!p0 s1  }
0x3e: {  	[bflag:$0x3] =	sbarrier.arrive $0xFFFF  }
0x3f: {  	_ =	shalt  }

</sc_bundles>
